<compile_context>
chip_gen: v7x
topology: tpu7x:2x2x1
jax: 0.10.2.dev20260603
libtpu: 0.0.44.dev20260713+nightly
codegen_flags: <defaults>
</compile_context>

<pallas_src>
import functools

import jax
import jax.numpy as jnp
from jax import lax
from jax.experimental import pallas as pl
from jax.experimental.pallas import tpu as pltpu
from jax.experimental.pallas import tpu_sc as plsc

_NC = 2
_NS = 16
_NW = _NC * _NS
_CP = 128
_NBUF = 4


def _proj_body(tT_ref, w_ref, o_ref):
    o_ref[...] = jax.lax.dot_general(
        tT_ref[...].astype(jnp.bfloat16), w_ref[...],
        (((0,), (0,)), ((), ())), preferred_element_type=jnp.float32)


def _make_sc(B, L):
    bags_per_w = B // _NW
    mesh = plsc.VectorSubcoreMesh(core_axis_name="c", subcore_axis_name="s")

    steps = bags_per_w // 2

    @functools.partial(
        pl.kernel,
        out_type=jax.ShapeDtypeStruct((B, _CP), jnp.float32),
        mesh=mesh,
        compiler_params=pltpu.CompilerParams(use_tc_tiling_on_sc=True),
        scratch_types=[
            pltpu.VMEM((steps, 2 * L), jnp.int32),
            pltpu.VMEM((_NBUF, 2 * L, _CP), jnp.float32),
            pltpu.VMEM((bags_per_w, _CP), jnp.float32),
            pltpu.VMEM((32,), jnp.float32),
            pltpu.SemaphoreType.DMA((_NBUF,)),
        ],
    )
    def sc_fn(idx_hbm, proj_hbm, b_hbm, out_hbm, idx_v, rows_v, out_v, b_v,
              sem):
        wid = lax.axis_index("s") * _NC + lax.axis_index("c")
        base = wid * bags_per_w
        pltpu.sync_copy(idx_hbm.at[pl.ds(wid * steps, steps)], idx_v)
        pltpu.sync_copy(b_hbm, b_v)
        b0 = b_v[0:16]
        b1 = b_v[16:32]
        inv = 1.0 / L

        def start(j, buf):
            pltpu.async_copy(proj_hbm.at[idx_v.at[j]],
                             rows_v.at[buf], sem.at[buf])

        for j in range(_NBUF - 1):
            start(j, j)

        def group(g, carry):
            for bslot in range(_NBUF):
                j = g * _NBUF + bslot
                pltpu.make_async_copy(proj_hbm.at[idx_v.at[j]],
                                      rows_v.at[bslot],
                                      sem.at[bslot]).wait()

                @pl.when(j + _NBUF - 1 < steps)
                def _():
                    start(j + _NBUF - 1, (bslot + _NBUF - 1) % _NBUF)

                def inner(l, acc):
                    a0, a1, c0, c1 = acc
                    return (a0 + rows_v[bslot, l, 0:16],
                            a1 + rows_v[bslot, l, 16:32],
                            c0 + rows_v[bslot, L + l, 0:16],
                            c1 + rows_v[bslot, L + l, 16:32])

                z = jnp.zeros((16,), jnp.float32)
                a0, a1, c0, c1 = lax.fori_loop(0, L, inner, (z, z, z, z))
                out_v[2 * j, 0:16] = a0 * inv + b0
                out_v[2 * j, 16:32] = a1 * inv + b1
                out_v[2 * j + 1, 0:16] = c0 * inv + b0
                out_v[2 * j + 1, 16:32] = c1 * inv + b1
            return carry

        lax.fori_loop(0, steps // _NBUF, group, 0)
        pltpu.sync_copy(out_v, out_hbm.at[pl.ds(base, bags_per_w)])

    return sc_fn


def kernel(text, table, W, b):
    V, D = table.shape
    B, L = text.shape
    C = W.shape[1]
    w_pad = jnp.pad(W, ((0, 0), (0, _CP - C))).astype(jnp.bfloat16)
    b_pad = jnp.pad(b, (0, 32 - C))

    vb = 8192
    proj = pl.pallas_call(
        _proj_body,
        grid=(pl.cdiv(V, vb),),
        in_specs=[pl.BlockSpec((D, vb), lambda i: (0, i)),
                  pl.BlockSpec((D, _CP), lambda i: (0, 0))],
        out_specs=pl.BlockSpec((vb, _CP), lambda i: (i, 0)),
        out_shape=jax.ShapeDtypeStruct((V, _CP), jnp.float32),
    )(table.T, w_pad)

    idx2 = text.reshape(B // 2, 2 * L)
    pooled = _make_sc(B, L)(idx2, proj, b_pad)
    return pooled[:, :C]

# --- scband reference (transcript-rebuilt; emitter-appended) ---
"""Pipeline reference for scband-classifier-net-42769284334014 (READ-ONLY COPY).

The authoritative reference and input builder live on the scoring server;
editing this copy changes nothing except your own understanding.
"""

import jax, jax.numpy as jnp
import numpy as np

VOCAB = 100000
DIM = 300
NUM_CLASS = 20
BATCH = 4096
HIST = 50

def setup_inputs(seed: int = 0) -> dict:
    key = jax.random.key(seed)
    k1, k2, k3 = jax.random.split(key, 3)
    table = jax.random.normal(k1, (VOCAB, DIM), dtype=jnp.float32) * 0.1
    W = jax.random.normal(k2, (DIM, NUM_CLASS), dtype=jnp.float32) * 0.05
    b = jnp.zeros((NUM_CLASS,), dtype=jnp.float32)
    text = jax.random.randint(k3, (BATCH, HIST), 0, VOCAB, dtype=jnp.int32)
    return {"text": text, "table": table, "W": W, "b": b}

def reference(text, table, W, b):
    # torch.nn.EmbeddingBag default mode='mean' on 2D input [B, L]:
    # gather rows then mean-pool over the bag (L) dimension.
    emb = jnp.take(table, text, axis=0)          # [B, L, DIM] gather
    pooled = jnp.mean(emb, axis=1)               # [B, DIM] bag mean
    # fc: Linear(DIM, NUM_CLASS)
    return pooled @ W + b                        # [B, NUM_CLASS]

if __name__ == "__main__":
    import jax
    _d = setup_inputs()
    print(jax.jit(kernel)(*tuple(_d.values())))

</pallas_src>

<mosaic_0001>
#map = affine_map<(d0, d1) -> (0, 0)>
#map1 = affine_map<(d0, d1) -> (0)>
module attributes {stable_mosaic.version = 14 : i64} {
  func.func @sc_fn(%arg0: i32, %arg1: i32, %arg2: memref<2048x100xi32, #tpu.memory_space<hbm>>, %arg3: memref<100000x128xf32, #tpu.memory_space<hbm>>, %arg4: memref<32xf32, #tpu.memory_space<hbm>>, %arg5: memref<4096x128xf32, #tpu.memory_space<hbm>>, %arg6: memref<64x100xi32, #tpu.memory_space<vmem>>, %arg7: memref<4x100x128xf32, #tpu.memory_space<vmem>>, %arg8: memref<128x128xf32, #tpu.memory_space<vmem>>, %arg9: memref<32xf32, #tpu.memory_space<vmem>>, %arg10: memref<4x!tpu.dma_semaphore, #tpu.memory_space<semaphore_mem>>) attributes {dimension_semantics = [#tpu.dimension_semantics<core_parallel>, #tpu.dimension_semantics<subcore_parallel>], iteration_bounds = array<i64: 2, 16>, scalar_prefetch = 0 : i64, scratch_operands = 5 : i64, tpu.core_type = #tpu.core_type<sc_vector_subcore>, window_params = [{transform_indices = #map}, {transform_indices = #map}, {transform_indices = #map1}, {transform_indices = #map}]} {
    %mul3A = arith.constant 2 : i32
    %mul3A_0 = arith.muli %arg1, %mul3A : i32
    %add3A = arith.addi %mul3A_0, %arg0 : i32
    %mul3A_1 = arith.constant 128 : i32
    %mul3A_2 = arith.muli %add3A, %mul3A_1 : i32
    %mul3A_3 = arith.constant 64 : i32
    %mul3A_4 = arith.muli %add3A, %mul3A_3 : i32
    "tpu.region"() ({
      %run_scoped3A = tpu.sem_alloc : memref<!tpu.dma_semaphore, #tpu.memory_space<semaphore_mem>>
      %dma_start3A_59 = arith.constant 0 : i32
      %dma_start3A_60 = tpu.memref_slice %arg2[%mul3A_4, %dma_start3A_59] : memref<2048x100xi32, #tpu.memory_space<hbm>> -> memref<64x100xi32, #tpu.memory_space<hbm>>
      %dma_start3A_61 = arith.constant 0 : i32
      %dma_start3A_62 = tpu.memref_slice %arg2[%mul3A_4, %dma_start3A_61] : memref<2048x100xi32, #tpu.memory_space<hbm>> -> memref<64x100xi32, #tpu.memory_space<hbm>>
      tpu.enqueue_dma source(%dma_start3A_62 : memref<64x100xi32, #tpu.memory_space<hbm>>) target(%arg6 : memref<64x100xi32, #tpu.memory_space<vmem>>) target_semaphore(%run_scoped3A : memref<!tpu.dma_semaphore, #tpu.memory_space<semaphore_mem>>)
      %dma_wait3A = arith.constant 0 : i32
      %dma_wait3A_63 = tpu.memref_slice %arg2[%mul3A_4, %dma_wait3A] : memref<2048x100xi32, #tpu.memory_space<hbm>> -> memref<64x100xi32, #tpu.memory_space<hbm>>
      %dma_wait3A_64 = arith.constant 0 : i32
      %dma_wait3A_65 = tpu.memref_slice %arg2[%mul3A_4, %dma_wait3A_64] : memref<2048x100xi32, #tpu.memory_space<hbm>> -> memref<64x100xi32, #tpu.memory_space<hbm>>
      tpu.wait_dma2 semaphore(%run_scoped3A : memref<!tpu.dma_semaphore, #tpu.memory_space<semaphore_mem>>) src(%dma_wait3A_65 : memref<64x100xi32, #tpu.memory_space<hbm>>) dst(%arg6 : memref<64x100xi32, #tpu.memory_space<vmem>>)
      tpu.yield
    }) : () -> ()
    "tpu.region"() ({
      %run_scoped3A = tpu.sem_alloc : memref<!tpu.dma_semaphore, #tpu.memory_space<semaphore_mem>>
      tpu.enqueue_dma source(%arg4 : memref<32xf32, #tpu.memory_space<hbm>>) target(%arg9 : memref<32xf32, #tpu.memory_space<vmem>>) target_semaphore(%run_scoped3A : memref<!tpu.dma_semaphore, #tpu.memory_space<semaphore_mem>>)
      tpu.wait_dma2 semaphore(%run_scoped3A : memref<!tpu.dma_semaphore, #tpu.memory_space<semaphore_mem>>) src(%arg4 : memref<32xf32, #tpu.memory_space<hbm>>) dst(%arg9 : memref<32xf32, #tpu.memory_space<vmem>>)
      tpu.yield
    }) : () -> ()
    %get3A = arith.constant 0 : index
    %get3A_5 = tpu.vector_load %arg9[%get3A] {strides = array<i32>} : memref<32xf32, #tpu.memory_space<vmem>>, vector<16xf32>,
    %get3A_6 = vector.shape_cast %get3A_5 : vector<16xf32> to vector<16xf32>
    %get3A_7 = arith.constant 16 : index
    %get3A_8 = tpu.vector_load %arg9[%get3A_7] {strides = array<i32>} : memref<32xf32, #tpu.memory_space<vmem>>, vector<16xf32>,
    %get3A_9 = vector.shape_cast %get3A_8 : vector<16xf32> to vector<16xf32>
    %dma_start3A = arith.constant 0 : i32
    %dma_start3A_10 = arith.constant 0 : i32
    %dma_start3A_11 = arith.constant 0 : i32
    %dma_start3A_12 = arith.constant 0 : i32
    %dma_start3A_13 = arith.constant 0 : i32
    %dma_start3A_14 = tpu.memref_slice %arg7[%dma_start3A_10, %dma_start3A_12, %dma_start3A_13] : memref<4x100x128xf32, #tpu.memory_space<vmem>> -> memref<1x100x128xf32, #tpu.memory_space<vmem>>
    %dma_start3A_15 = tpu.memref_squeeze %dma_start3A_14 : memref<1x100x128xf32, #tpu.memory_space<vmem>> -> memref<100x128xf32, #tpu.memory_space<vmem>>
    %dma_start3A_16 = arith.constant 0 : i32
    %dma_start3A_17 = tpu.memref_slice %arg6[%dma_start3A, %dma_start3A_16] : memref<64x100xi32, #tpu.memory_space<vmem>> -> memref<1x100xi32, #tpu.memory_space<vmem>>
    %dma_start3A_18 = tpu.memref_squeeze %dma_start3A_17 : memref<1x100xi32, #tpu.memory_space<vmem>> -> memref<100xi32, #tpu.memory_space<vmem>>
    %dma_start3A_19 = arith.constant 0 : i32
    %dma_start3A_20 = arith.constant 0 : i32
    %dma_start3A_21 = tpu.memref_slice %arg3[%dma_start3A_19, %dma_start3A_20] : memref<100000x128xf32, #tpu.memory_space<hbm>> -> memref<100000x128xf32, #tpu.memory_space<hbm>>
    %dma_start3A_22 = tpu.memref_slice %arg10[%dma_start3A_11] : memref<4x!tpu.dma_semaphore, #tpu.memory_space<semaphore_mem>> -> memref<1x!tpu.dma_semaphore, #tpu.memory_space<semaphore_mem>>
    %dma_start3A_23 = tpu.memref_squeeze %dma_start3A_22 : memref<1x!tpu.dma_semaphore, #tpu.memory_space<semaphore_mem>> -> memref<!tpu.dma_semaphore, #tpu.memory_space<semaphore_mem>>
    tpu.enqueue_indirect_dma source(%dma_start3A_21 : memref<100000x128xf32, #tpu.memory_space<hbm>>) target(%dma_start3A_15 : memref<100x128xf32, #tpu.memory_space<vmem>>) offsets(%dma_start3A_18 : memref<100xi32, #tpu.memory_space<vmem>>) semaphore(%dma_start3A_23 : memref<!tpu.dma_semaphore, #tpu.memory_space<semaphore_mem>>)
    %dma_start3A_24 = arith.constant 1 : i32
    %dma_start3A_25 = arith.constant 1 : i32
    %dma_start3A_26 = arith.constant 1 : i32
    %dma_start3A_27 = arith.constant 0 : i32
    %dma_start3A_28 = arith.constant 0 : i32
    %dma_start3A_29 = tpu.memref_slice %arg7[%dma_start3A_25, %dma_start3A_27, %dma_start3A_28] : memref<4x100x128xf32, #tpu.memory_space<vmem>> -> memref<1x100x128xf32, #tpu.memory_space<vmem>>
    %dma_start3A_30 = tpu.memref_squeeze %dma_start3A_29 : memref<1x100x128xf32, #tpu.memory_space<vmem>> -> memref<100x128xf32, #tpu.memory_space<vmem>>
    %dma_start3A_31 = arith.constant 0 : i32
    %dma_start3A_32 = tpu.memref_slice %arg6[%dma_start3A_24, %dma_start3A_31] : memref<64x100xi32, #tpu.memory_space<vmem>> -> memref<1x100xi32, #tpu.memory_space<vmem>>
    %dma_start3A_33 = tpu.memref_squeeze %dma_start3A_32 : memref<1x100xi32, #tpu.memory_space<vmem>> -> memref<100xi32, #tpu.memory_space<vmem>>
    %dma_start3A_34 = arith.constant 0 : i32
    %dma_start3A_35 = arith.constant 0 : i32
    %dma_start3A_36 = tpu.memref_slice %arg3[%dma_start3A_34, %dma_start3A_35] : memref<100000x128xf32, #tpu.memory_space<hbm>> -> memref<100000x128xf32, #tpu.memory_space<hbm>>
    %dma_start3A_37 = tpu.memref_slice %arg10[%dma_start3A_26] : memref<4x!tpu.dma_semaphore, #tpu.memory_space<semaphore_mem>> -> memref<1x!tpu.dma_semaphore, #tpu.memory_space<semaphore_mem>>
    %dma_start3A_38 = tpu.memref_squeeze %dma_start3A_37 : memref<1x!tpu.dma_semaphore, #tpu.memory_space<semaphore_mem>> -> memref<!tpu.dma_semaphore, #tpu.memory_space<semaphore_mem>>
    tpu.enqueue_indirect_dma source(%dma_start3A_36 : memref<100000x128xf32, #tpu.memory_space<hbm>>) target(%dma_start3A_30 : memref<100x128xf32, #tpu.memory_space<vmem>>) offsets(%dma_start3A_33 : memref<100xi32, #tpu.memory_space<vmem>>) semaphore(%dma_start3A_38 : memref<!tpu.dma_semaphore, #tpu.memory_space<semaphore_mem>>)
    %dma_start3A_39 = arith.constant 2 : i32
    %dma_start3A_40 = arith.constant 2 : i32
    %dma_start3A_41 = arith.constant 2 : i32
    %dma_start3A_42 = arith.constant 0 : i32
    %dma_start3A_43 = arith.constant 0 : i32
    %dma_start3A_44 = tpu.memref_slice %arg7[%dma_start3A_40, %dma_start3A_42, %dma_start3A_43] : memref<4x100x128xf32, #tpu.memory_space<vmem>> -> memref<1x100x128xf32, #tpu.memory_space<vmem>>
    %dma_start3A_45 = tpu.memref_squeeze %dma_start3A_44 : memref<1x100x128xf32, #tpu.memory_space<vmem>> -> memref<100x128xf32, #tpu.memory_space<vmem>>
    %dma_start3A_46 = arith.constant 0 : i32
    %dma_start3A_47 = tpu.memref_slice %arg6[%dma_start3A_39, %dma_start3A_46] : memref<64x100xi32, #tpu.memory_space<vmem>> -> memref<1x100xi32, #tpu.memory_space<vmem>>
    %dma_start3A_48 = tpu.memref_squeeze %dma_start3A_47 : memref<1x100xi32, #tpu.memory_space<vmem>> -> memref<100xi32, #tpu.memory_space<vmem>>
    %dma_start3A_49 = arith.constant 0 : i32
    %dma_start3A_50 = arith.constant 0 : i32
    %dma_start3A_51 = tpu.memref_slice %arg3[%dma_start3A_49, %dma_start3A_50] : memref<100000x128xf32, #tpu.memory_space<hbm>> -> memref<100000x128xf32, #tpu.memory_space<hbm>>
    %dma_start3A_52 = tpu.memref_slice %arg10[%dma_start3A_41] : memref<4x!tpu.dma_semaphore, #tpu.memory_space<semaphore_mem>> -> memref<1x!tpu.dma_semaphore, #tpu.memory_space<semaphore_mem>>
    %dma_start3A_53 = tpu.memref_squeeze %dma_start3A_52 : memref<1x!tpu.dma_semaphore, #tpu.memory_space<semaphore_mem>> -> memref<!tpu.dma_semaphore, #tpu.memory_space<semaphore_mem>>
    tpu.enqueue_indirect_dma source(%dma_start3A_51 : memref<100000x128xf32, #tpu.memory_space<hbm>>) target(%dma_start3A_45 : memref<100x128xf32, #tpu.memory_space<vmem>>) offsets(%dma_start3A_48 : memref<100xi32, #tpu.memory_space<vmem>>) semaphore(%dma_start3A_53 : memref<!tpu.dma_semaphore, #tpu.memory_space<semaphore_mem>>)
    %scan3A = arith.constant 0 : i32
    %scan3A_54 = arith.constant 0 : i32
    %scan3A_55 = arith.constant 16 : i32
    %scan3A_56 = arith.addi %scan3A_54, %scan3A_55 : i32
    %scan3A_57 = arith.constant 1 : i32
    scf.for %scan3A_59 = %scan3A_54 to %scan3A_56 step %scan3A_57  : i32 {
      %mul3A_60 = arith.constant 4 : i32
      %mul3A_61 = arith.muli %scan3A_59, %mul3A_60 : i32
      %add3A_62 = arith.constant 0 : i32
      %add3A_63 = arith.addi %mul3A_61, %add3A_62 : i32
      %dma_wait3A = arith.constant 0 : i32
      %dma_wait3A_64 = arith.constant 0 : i32
      %dma_wait3A_65 = arith.constant 0 : i32
      %dma_wait3A_66 = arith.constant 0 : i32
      %dma_wait3A_67 = tpu.memref_slice %arg7[%dma_wait3A, %dma_wait3A_65, %dma_wait3A_66] : memref<4x100x128xf32, #tpu.memory_space<vmem>> -> memref<1x100x128xf32, #tpu.memory_space<vmem>>
      %dma_wait3A_68 = tpu.memref_squeeze %dma_wait3A_67 : memref<1x100x128xf32, #tpu.memory_space<vmem>> -> memref<100x128xf32, #tpu.memory_space<vmem>>
      %dma_wait3A_69 = arith.constant 0 : i32
      %dma_wait3A_70 = tpu.memref_slice %arg6[%add3A_63, %dma_wait3A_69] : memref<64x100xi32, #tpu.memory_space<vmem>> -> memref<1x100xi32, #tpu.memory_space<vmem>>
      %dma_wait3A_71 = tpu.memref_squeeze %dma_wait3A_70 : memref<1x100xi32, #tpu.memory_space<vmem>> -> memref<100xi32, #tpu.memory_space<vmem>>
      %dma_wait3A_72 = arith.constant 0 : i32
      %dma_wait3A_73 = arith.constant 0 : i32
      %dma_wait3A_74 = tpu.memref_slice %arg3[%dma_wait3A_72, %dma_wait3A_73] : memref<100000x128xf32, #tpu.memory_space<hbm>> -> memref<100000x128xf32, #tpu.memory_space<hbm>>
      %dma_wait3A_75 = tpu.memref_slice %arg10[%dma_wait3A_64] : memref<4x!tpu.dma_semaphore, #tpu.memory_space<semaphore_mem>> -> memref<1x!tpu.dma_semaphore, #tpu.memory_space<semaphore_mem>>
      %dma_wait3A_76 = tpu.memref_squeeze %dma_wait3A_75 : memref<1x!tpu.dma_semaphore, #tpu.memory_space<semaphore_mem>> -> memref<!tpu.dma_semaphore, #tpu.memory_space<semaphore_mem>>
      tpu.wait_indirect_dma semaphore(%dma_wait3A_76 : memref<!tpu.dma_semaphore, #tpu.memory_space<semaphore_mem>>) src(%dma_wait3A_74 : memref<100000x128xf32, #tpu.memory_space<hbm>>) dst(%dma_wait3A_68 : memref<100x128xf32, #tpu.memory_space<vmem>>)
      %add3A_77 = arith.constant 4 : i32
      %add3A_78 = arith.addi %add3A_63, %add3A_77 : i32
      %sub3A = arith.constant 1 : i32
      %sub3A_79 = arith.subi %add3A_78, %sub3A : i32
      %lt3A = arith.constant 64 : i32
      %lt3A_80 = arith.cmpi slt, %sub3A_79, %lt3A : i32
      %convert_element_type3A = arith.extui %lt3A_80 : i1 to i32
      %cond3A = arith.constant 0 : i32
      %cond3A_81 = arith.cmpi ne, %convert_element_type3A, %cond3A : i32
      scf.if %cond3A_81 {
        %add3A_385 = arith.constant 4 : i32
        %add3A_386 = arith.addi %add3A_63, %add3A_385 : i32
        %sub3A_387 = arith.constant 1 : i32
        %sub3A_388 = arith.subi %add3A_386, %sub3A_387 : i32
        %dma_start3A_389 = arith.constant 3 : i32
        %dma_start3A_390 = arith.constant 3 : i32
        %dma_start3A_391 = arith.constant 0 : i32
        %dma_start3A_392 = arith.constant 0 : i32
        %dma_start3A_393 = tpu.memref_slice %arg7[%dma_start3A_389, %dma_start3A_391, %dma_start3A_392] : memref<4x100x128xf32, #tpu.memory_space<vmem>> -> memref<1x100x128xf32, #tpu.memory_space<vmem>>
        %dma_start3A_394 = tpu.memref_squeeze %dma_start3A_393 : memref<1x100x128xf32, #tpu.memory_space<vmem>> -> memref<100x128xf32, #tpu.memory_space<vmem>>
        %dma_start3A_395 = arith.constant 0 : i32
        %dma_start3A_396 = tpu.memref_slice %arg6[%sub3A_388, %dma_start3A_395] : memref<64x100xi32, #tpu.memory_space<vmem>> -> memref<1x100xi32, #tpu.memory_space<vmem>>
        %dma_start3A_397 = tpu.memref_squeeze %dma_start3A_396 : memref<1x100xi32, #tpu.memory_space<vmem>> -> memref<100xi32, #tpu.memory_space<vmem>>
        %dma_start3A_398 = arith.constant 0 : i32
        %dma_start3A_399 = arith.constant 0 : i32
        %dma_start3A_400 = tpu.memref_slice %arg3[%dma_start3A_398, %dma_start3A_399] : memref<100000x128xf32, #tpu.memory_space<hbm>> -> memref<100000x128xf32, #tpu.memory_space<hbm>>
        %dma_start3A_401 = tpu.memref_slice %arg10[%dma_start3A_390] : memref<4x!tpu.dma_semaphore, #tpu.memory_space<semaphore_mem>> -> memref<1x!tpu.dma_semaphore, #tpu.memory_space<semaphore_mem>>
        %dma_start3A_402 = tpu.memref_squeeze %dma_start3A_401 : memref<1x!tpu.dma_semaphore, #tpu.memory_space<semaphore_mem>> -> memref<!tpu.dma_semaphore, #tpu.memory_space<semaphore_mem>>
        tpu.enqueue_indirect_dma source(%dma_start3A_400 : memref<100000x128xf32, #tpu.memory_space<hbm>>) target(%dma_start3A_394 : memref<100x128xf32, #tpu.memory_space<vmem>>) offsets(%dma_start3A_397 : memref<100xi32, #tpu.memory_space<vmem>>) semaphore(%dma_start3A_402 : memref<!tpu.dma_semaphore, #tpu.memory_space<semaphore_mem>>)
      } else {
      }
      %broadcast_in_dim3A = arith.constant 0.000000e+00 : f32
      %broadcast_in_dim3A_82 = vector.broadcast %broadcast_in_dim3A : f32 to vector<16xf32>
      %scan3A_83 = arith.constant 0 : i32
      %scan3A_84 = arith.constant 50 : i32
      %scan3A_85 = arith.addi %scan3A_83, %scan3A_84 : i32
      %scan3A_86 = arith.constant 1 : i32
      %scan3A_87:4 = scf.for %scan3A_385 = %scan3A_83 to %scan3A_85 step %scan3A_86 iter_args(%scan3A_386 = %broadcast_in_dim3A_82, %scan3A_387 = %broadcast_in_dim3A_82, %scan3A_388 = %broadcast_in_dim3A_82, %scan3A_389 = %broadcast_in_dim3A_82) -> (vector<16xf32>, vector<16xf32>, vector<16xf32>, vector<16xf32>)  : i32 {
        %get3A_390 = arith.constant 0 : i32
        %get3A_391 = arith.index_cast %get3A_390 : i32 to index
        %get3A_392 = arith.index_cast %scan3A_385 : i32 to index
        %get3A_393 = arith.constant 0 : index
        %get3A_394 = tpu.vector_load %arg7[%get3A_391, %get3A_392, %get3A_393] {strides = array<i32>} : memref<4x100x128xf32, #tpu.memory_space<vmem>>, vector<1x1x16xf32>,
        %get3A_395 = vector.shape_cast %get3A_394 : vector<1x1x16xf32> to vector<16xf32>
        %add3A_396 = arith.addf %scan3A_386, %get3A_395 : vector<16xf32>
        %get3A_397 = arith.constant 0 : i32
        %get3A_398 = arith.index_cast %get3A_397 : i32 to index
        %get3A_399 = arith.index_cast %scan3A_385 : i32 to index
        %get3A_400 = arith.constant 16 : index
        %get3A_401 = tpu.vector_load %arg7[%get3A_398, %get3A_399, %get3A_400] {strides = array<i32>} : memref<4x100x128xf32, #tpu.memory_space<vmem>>, vector<1x1x16xf32>,
        %get3A_402 = vector.shape_cast %get3A_401 : vector<1x1x16xf32> to vector<16xf32>
        %add3A_403 = arith.addf %scan3A_387, %get3A_402 : vector<16xf32>
        %add3A_404 = arith.constant 50 : i32
        %add3A_405 = arith.addi %add3A_404, %scan3A_385 : i32
        %get3A_406 = arith.constant 0 : i32
        %get3A_407 = arith.index_cast %get3A_406 : i32 to index
        %get3A_408 = arith.index_cast %add3A_405 : i32 to index
        %get3A_409 = arith.constant 0 : index
        %get3A_410 = tpu.vector_load %arg7[%get3A_407, %get3A_408, %get3A_409] {strides = array<i32>} : memref<4x100x128xf32, #tpu.memory_space<vmem>>, vector<1x1x16xf32>,
        %get3A_411 = vector.shape_cast %get3A_410 : vector<1x1x16xf32> to vector<16xf32>
        %add3A_412 = arith.addf %scan3A_388, %get3A_411 : vector<16xf32>
        %add3A_413 = arith.constant 50 : i32
        %add3A_414 = arith.addi %add3A_413, %scan3A_385 : i32
        %get3A_415 = arith.constant 0 : i32
        %get3A_416 = arith.index_cast %get3A_415 : i32 to index
        %get3A_417 = arith.index_cast %add3A_414 : i32 to index
        %get3A_418 = arith.constant 16 : index
        %get3A_419 = tpu.vector_load %arg7[%get3A_416, %get3A_417, %get3A_418] {strides = array<i32>} : memref<4x100x128xf32, #tpu.memory_space<vmem>>, vector<1x1x16xf32>,
        %get3A_420 = vector.shape_cast %get3A_419 : vector<1x1x16xf32> to vector<16xf32>
        %add3A_421 = arith.addf %scan3A_389, %get3A_420 : vector<16xf32>
        scf.yield %add3A_396, %add3A_403, %add3A_412, %add3A_421 : vector<16xf32>, vector<16xf32>, vector<16xf32>, vector<16xf32>
      }
      %scan3A_88 = arith.constant 50 : i32
      %mul3A_89 = arith.constant 2.000000e-02 : f32
      %mul3A_90 = vector.broadcast %mul3A_89 : f32 to vector<16xf32>
      %mul3A_91 = arith.mulf %scan3A_87#0, %mul3A_90 : vector<16xf32>
      %add3A_92 = arith.addf %mul3A_91, %get3A_6 : vector<16xf32>
      %mul3A_93 = arith.constant 2 : i32
      %mul3A_94 = arith.muli %mul3A_93, %add3A_63 : i32
      %swap3A = arith.index_cast %mul3A_94 : i32 to index
      %swap3A_95 = arith.constant 0 : index
      %swap3A_96 = tpu.vector_load %arg8[%swap3A, %swap3A_95] {strides = array<i32>} : memref<128x128xf32, #tpu.memory_space<vmem>>, vector<1x16xf32>,
      %swap3A_97 = vector.shape_cast %swap3A_96 : vector<1x16xf32> to vector<16xf32>
      %swap3A_98 = vector.shape_cast %add3A_92 : vector<16xf32> to vector<1x16xf32>
      tpu.vector_store %arg8[%swap3A, %swap3A_95], %swap3A_98 {strides = array<i32>} : memref<128x128xf32, #tpu.memory_space<vmem>>, vector<1x16xf32>,
      %mul3A_99 = arith.constant 2.000000e-02 : f32
      %mul3A_100 = vector.broadcast %mul3A_99 : f32 to vector<16xf32>
      %mul3A_101 = arith.mulf %scan3A_87#1, %mul3A_100 : vector<16xf32>
      %add3A_102 = arith.addf %mul3A_101, %get3A_9 : vector<16xf32>
      %mul3A_103 = arith.constant 2 : i32
      %mul3A_104 = arith.muli %mul3A_103, %add3A_63 : i32
      %swap3A_105 = arith.index_cast %mul3A_104 : i32 to index
      %swap3A_106 = arith.constant 16 : index
      %swap3A_107 = tpu.vector_load %arg8[%swap3A_105, %swap3A_106] {strides = array<i32>} : memref<128x128xf32, #tpu.memory_space<vmem>>, vector<1x16xf32>,
      %swap3A_108 = vector.shape_cast %swap3A_107 : vector<1x16xf32> to vector<16xf32>
      %swap3A_109 = vector.shape_cast %add3A_102 : vector<16xf32> to vector<1x16xf32>
      tpu.vector_store %arg8[%swap3A_105, %swap3A_106], %swap3A_109 {strides = array<i32>} : memref<128x128xf32, #tpu.memory_space<vmem>>, vector<1x16xf32>,
      %mul3A_110 = arith.constant 2.000000e-02 : f32
      %mul3A_111 = vector.broadcast %mul3A_110 : f32 to vector<16xf32>
      %mul3A_112 = arith.mulf %scan3A_87#2, %mul3A_111 : vector<16xf32>
      %add3A_113 = arith.addf %mul3A_112, %get3A_6 : vector<16xf32>
      %mul3A_114 = arith.constant 2 : i32
      %mul3A_115 = arith.muli %mul3A_114, %add3A_63 : i32
      %add3A_116 = arith.constant 1 : i32
      %add3A_117 = arith.addi %mul3A_115, %add3A_116 : i32
      %swap3A_118 = arith.index_cast %add3A_117 : i32 to index
      %swap3A_119 = arith.constant 0 : index
      %swap3A_120 = tpu.vector_load %arg8[%swap3A_118, %swap3A_119] {strides = array<i32>} : memref<128x128xf32, #tpu.memory_space<vmem>>, vector<1x16xf32>,
      %swap3A_121 = vector.shape_cast %swap3A_120 : vector<1x16xf32> to vector<16xf32>
      %swap3A_122 = vector.shape_cast %add3A_113 : vector<16xf32> to vector<1x16xf32>
      tpu.vector_store %arg8[%swap3A_118, %swap3A_119], %swap3A_122 {strides = array<i32>} : memref<128x128xf32, #tpu.memory_space<vmem>>, vector<1x16xf32>,
      %mul3A_123 = arith.constant 2.000000e-02 : f32
      %mul3A_124 = vector.broadcast %mul3A_123 : f32 to vector<16xf32>
      %mul3A_125 = arith.mulf %scan3A_87#3, %mul3A_124 : vector<16xf32>
      %add3A_126 = arith.addf %mul3A_125, %get3A_9 : vector<16xf32>
      %mul3A_127 = arith.constant 2 : i32
      %mul3A_128 = arith.muli %mul3A_127, %add3A_63 : i32
      %add3A_129 = arith.constant 1 : i32
      %add3A_130 = arith.addi %mul3A_128, %add3A_129 : i32
      %swap3A_131 = arith.index_cast %add3A_130 : i32 to index
      %swap3A_132 = arith.constant 16 : index
      %swap3A_133 = tpu.vector_load %arg8[%swap3A_131, %swap3A_132] {strides = array<i32>} : memref<128x128xf32, #tpu.memory_space<vmem>>, vector<1x16xf32>,
      %swap3A_134 = vector.shape_cast %swap3A_133 : vector<1x16xf32> to vector<16xf32>
      %swap3A_135 = vector.shape_cast %add3A_126 : vector<16xf32> to vector<1x16xf32>
      tpu.vector_store %arg8[%swap3A_131, %swap3A_132], %swap3A_135 {strides = array<i32>} : memref<128x128xf32, #tpu.memory_space<vmem>>, vector<1x16xf32>,
      %mul3A_136 = arith.constant 4 : i32
      %mul3A_137 = arith.muli %scan3A_59, %mul3A_136 : i32
      %add3A_138 = arith.constant 1 : i32
      %add3A_139 = arith.addi %mul3A_137, %add3A_138 : i32
      %dma_wait3A_140 = arith.constant 1 : i32
      %dma_wait3A_141 = arith.constant 1 : i32
      %dma_wait3A_142 = arith.constant 0 : i32
      %dma_wait3A_143 = arith.constant 0 : i32
      %dma_wait3A_144 = tpu.memref_slice %arg7[%dma_wait3A_140, %dma_wait3A_142, %dma_wait3A_143] : memref<4x100x128xf32, #tpu.memory_space<vmem>> -> memref<1x100x128xf32, #tpu.memory_space<vmem>>
      %dma_wait3A_145 = tpu.memref_squeeze %dma_wait3A_144 : memref<1x100x128xf32, #tpu.memory_space<vmem>> -> memref<100x128xf32, #tpu.memory_space<vmem>>
      %dma_wait3A_146 = arith.constant 0 : i32
      %dma_wait3A_147 = tpu.memref_slice %arg6[%add3A_139, %dma_wait3A_146] : memref<64x100xi32, #tpu.memory_space<vmem>> -> memref<1x100xi32, #tpu.memory_space<vmem>>
      %dma_wait3A_148 = tpu.memref_squeeze %dma_wait3A_147 : memref<1x100xi32, #tpu.memory_space<vmem>> -> memref<100xi32, #tpu.memory_space<vmem>>
      %dma_wait3A_149 = arith.constant 0 : i32
      %dma_wait3A_150 = arith.constant 0 : i32
      %dma_wait3A_151 = tpu.memref_slice %arg3[%dma_wait3A_149, %dma_wait3A_150] : memref<100000x128xf32, #tpu.memory_space<hbm>> -> memref<100000x128xf32, #tpu.memory_space<hbm>>
      %dma_wait3A_152 = tpu.memref_slice %arg10[%dma_wait3A_141] : memref<4x!tpu.dma_semaphore, #tpu.memory_space<semaphore_mem>> -> memref<1x!tpu.dma_semaphore, #tpu.memory_space<semaphore_mem>>
      %dma_wait3A_153 = tpu.memref_squeeze %dma_wait3A_152 : memref<1x!tpu.dma_semaphore, #tpu.memory_space<semaphore_mem>> -> memref<!tpu.dma_semaphore, #tpu.memory_space<semaphore_mem>>
      tpu.wait_indirect_dma semaphore(%dma_wait3A_153 : memref<!tpu.dma_semaphore, #tpu.memory_space<semaphore_mem>>) src(%dma_wait3A_151 : memref<100000x128xf32, #tpu.memory_space<hbm>>) dst(%dma_wait3A_145 : memref<100x128xf32, #tpu.memory_space<vmem>>)
      %add3A_154 = arith.constant 4 : i32
      %add3A_155 = arith.addi %add3A_139, %add3A_154 : i32
      %sub3A_156 = arith.constant 1 : i32
      %sub3A_157 = arith.subi %add3A_155, %sub3A_156 : i32
      %lt3A_158 = arith.constant 64 : i32
      %lt3A_159 = arith.cmpi slt, %sub3A_157, %lt3A_158 : i32
      %convert_element_type3A_160 = arith.extui %lt3A_159 : i1 to i32
      %cond3A_161 = arith.constant 0 : i32
      %cond3A_162 = arith.cmpi ne, %convert_element_type3A_160, %cond3A_161 : i32
      scf.if %cond3A_162 {
        %add3A_385 = arith.constant 4 : i32
        %add3A_386 = arith.addi %add3A_139, %add3A_385 : i32
        %sub3A_387 = arith.constant 1 : i32
        %sub3A_388 = arith.subi %add3A_386, %sub3A_387 : i32
        %dma_start3A_389 = arith.constant 0 : i32
        %dma_start3A_390 = arith.constant 0 : i32
        %dma_start3A_391 = arith.constant 0 : i32
        %dma_start3A_392 = arith.constant 0 : i32
        %dma_start3A_393 = tpu.memref_slice %arg7[%dma_start3A_389, %dma_start3A_391, %dma_start3A_392] : memref<4x100x128xf32, #tpu.memory_space<vmem>> -> memref<1x100x128xf32, #tpu.memory_space<vmem>>
        %dma_start3A_394 = tpu.memref_squeeze %dma_start3A_393 : memref<1x100x128xf32, #tpu.memory_space<vmem>> -> memref<100x128xf32, #tpu.memory_space<vmem>>
        %dma_start3A_395 = arith.constant 0 : i32
        %dma_start3A_396 = tpu.memref_slice %arg6[%sub3A_388, %dma_start3A_395] : memref<64x100xi32, #tpu.memory_space<vmem>> -> memref<1x100xi32, #tpu.memory_space<vmem>>
        %dma_start3A_397 = tpu.memref_squeeze %dma_start3A_396 : memref<1x100xi32, #tpu.memory_space<vmem>> -> memref<100xi32, #tpu.memory_space<vmem>>
        %dma_start3A_398 = arith.constant 0 : i32
        %dma_start3A_399 = arith.constant 0 : i32
        %dma_start3A_400 = tpu.memref_slice %arg3[%dma_start3A_398, %dma_start3A_399] : memref<100000x128xf32, #tpu.memory_space<hbm>> -> memref<100000x128xf32, #tpu.memory_space<hbm>>
        %dma_start3A_401 = tpu.memref_slice %arg10[%dma_start3A_390] : memref<4x!tpu.dma_semaphore, #tpu.memory_space<semaphore_mem>> -> memref<1x!tpu.dma_semaphore, #tpu.memory_space<semaphore_mem>>
        %dma_start3A_402 = tpu.memref_squeeze %dma_start3A_401 : memref<1x!tpu.dma_semaphore, #tpu.memory_space<semaphore_mem>> -> memref<!tpu.dma_semaphore, #tpu.memory_space<semaphore_mem>>
        tpu.enqueue_indirect_dma source(%dma_start3A_400 : memref<100000x128xf32, #tpu.memory_space<hbm>>) target(%dma_start3A_394 : memref<100x128xf32, #tpu.memory_space<vmem>>) offsets(%dma_start3A_397 : memref<100xi32, #tpu.memory_space<vmem>>) semaphore(%dma_start3A_402 : memref<!tpu.dma_semaphore, #tpu.memory_space<semaphore_mem>>)
      } else {
      }
      %broadcast_in_dim3A_163 = arith.constant 0.000000e+00 : f32
      %broadcast_in_dim3A_164 = vector.broadcast %broadcast_in_dim3A_163 : f32 to vector<16xf32>
      %scan3A_165 = arith.constant 0 : i32
      %scan3A_166 = arith.constant 50 : i32
      %scan3A_167 = arith.addi %scan3A_165, %scan3A_166 : i32
      %scan3A_168 = arith.constant 1 : i32
      %scan3A_169:4 = scf.for %scan3A_385 = %scan3A_165 to %scan3A_167 step %scan3A_168 iter_args(%scan3A_386 = %broadcast_in_dim3A_164, %scan3A_387 = %broadcast_in_dim3A_164, %scan3A_388 = %broadcast_in_dim3A_164, %scan3A_389 = %broadcast_in_dim3A_164) -> (vector<16xf32>, vector<16xf32>, vector<16xf32>, vector<16xf32>)  : i32 {
        %get3A_390 = arith.constant 1 : i32
        %get3A_391 = arith.index_cast %get3A_390 : i32 to index
        %get3A_392 = arith.index_cast %scan3A_385 : i32 to index
        %get3A_393 = arith.constant 0 : index
        %get3A_394 = tpu.vector_load %arg7[%get3A_391, %get3A_392, %get3A_393] {strides = array<i32>} : memref<4x100x128xf32, #tpu.memory_space<vmem>>, vector<1x1x16xf32>,
        %get3A_395 = vector.shape_cast %get3A_394 : vector<1x1x16xf32> to vector<16xf32>
        %add3A_396 = arith.addf %scan3A_386, %get3A_395 : vector<16xf32>
        %get3A_397 = arith.constant 1 : i32
        %get3A_398 = arith.index_cast %get3A_397 : i32 to index
        %get3A_399 = arith.index_cast %scan3A_385 : i32 to index
        %get3A_400 = arith.constant 16 : index
        %get3A_401 = tpu.vector_load %arg7[%get3A_398, %get3A_399, %get3A_400] {strides = array<i32>} : memref<4x100x128xf32, #tpu.memory_space<vmem>>, vector<1x1x16xf32>,
        %get3A_402 = vector.shape_cast %get3A_401 : vector<1x1x16xf32> to vector<16xf32>
        %add3A_403 = arith.addf %scan3A_387, %get3A_402 : vector<16xf32>
        %add3A_404 = arith.constant 50 : i32
        %add3A_405 = arith.addi %add3A_404, %scan3A_385 : i32
        %get3A_406 = arith.constant 1 : i32
        %get3A_407 = arith.index_cast %get3A_406 : i32 to index
        %get3A_408 = arith.index_cast %add3A_405 : i32 to index
        %get3A_409 = arith.constant 0 : index
        %get3A_410 = tpu.vector_load %arg7[%get3A_407, %get3A_408, %get3A_409] {strides = array<i32>} : memref<4x100x128xf32, #tpu.memory_space<vmem>>, vector<1x1x16xf32>,
        %get3A_411 = vector.shape_cast %get3A_410 : vector<1x1x16xf32> to vector<16xf32>
        %add3A_412 = arith.addf %scan3A_388, %get3A_411 : vector<16xf32>
        %add3A_413 = arith.constant 50 : i32
        %add3A_414 = arith.addi %add3A_413, %scan3A_385 : i32
        %get3A_415 = arith.constant 1 : i32
        %get3A_416 = arith.index_cast %get3A_415 : i32 to index
        %get3A_417 = arith.index_cast %add3A_414 : i32 to index
        %get3A_418 = arith.constant 16 : index
        %get3A_419 = tpu.vector_load %arg7[%get3A_416, %get3A_417, %get3A_418] {strides = array<i32>} : memref<4x100x128xf32, #tpu.memory_space<vmem>>, vector<1x1x16xf32>,
        %get3A_420 = vector.shape_cast %get3A_419 : vector<1x1x16xf32> to vector<16xf32>
        %add3A_421 = arith.addf %scan3A_389, %get3A_420 : vector<16xf32>
        scf.yield %add3A_396, %add3A_403, %add3A_412, %add3A_421 : vector<16xf32>, vector<16xf32>, vector<16xf32>, vector<16xf32>
      }
      %scan3A_170 = arith.constant 50 : i32
      %mul3A_171 = arith.constant 2.000000e-02 : f32
      %mul3A_172 = vector.broadcast %mul3A_171 : f32 to vector<16xf32>
      %mul3A_173 = arith.mulf %scan3A_169#0, %mul3A_172 : vector<16xf32>
      %add3A_174 = arith.addf %mul3A_173, %get3A_6 : vector<16xf32>
      %mul3A_175 = arith.constant 2 : i32
      %mul3A_176 = arith.muli %mul3A_175, %add3A_139 : i32
      %swap3A_177 = arith.index_cast %mul3A_176 : i32 to index
      %swap3A_178 = arith.constant 0 : index
      %swap3A_179 = tpu.vector_load %arg8[%swap3A_177, %swap3A_178] {strides = array<i32>} : memref<128x128xf32, #tpu.memory_space<vmem>>, vector<1x16xf32>,
      %swap3A_180 = vector.shape_cast %swap3A_179 : vector<1x16xf32> to vector<16xf32>
      %swap3A_181 = vector.shape_cast %add3A_174 : vector<16xf32> to vector<1x16xf32>
      tpu.vector_store %arg8[%swap3A_177, %swap3A_178], %swap3A_181 {strides = array<i32>} : memref<128x128xf32, #tpu.memory_space<vmem>>, vector<1x16xf32>,
      %mul3A_182 = arith.constant 2.000000e-02 : f32
      %mul3A_183 = vector.broadcast %mul3A_182 : f32 to vector<16xf32>
      %mul3A_184 = arith.mulf %scan3A_169#1, %mul3A_183 : vector<16xf32>
      %add3A_185 = arith.addf %mul3A_184, %get3A_9 : vector<16xf32>
      %mul3A_186 = arith.constant 2 : i32
      %mul3A_187 = arith.muli %mul3A_186, %add3A_139 : i32
      %swap3A_188 = arith.index_cast %mul3A_187 : i32 to index
      %swap3A_189 = arith.constant 16 : index
      %swap3A_190 = tpu.vector_load %arg8[%swap3A_188, %swap3A_189] {strides = array<i32>} : memref<128x128xf32, #tpu.memory_space<vmem>>, vector<1x16xf32>,
      %swap3A_191 = vector.shape_cast %swap3A_190 : vector<1x16xf32> to vector<16xf32>
      %swap3A_192 = vector.shape_cast %add3A_185 : vector<16xf32> to vector<1x16xf32>
      tpu.vector_store %arg8[%swap3A_188, %swap3A_189], %swap3A_192 {strides = array<i32>} : memref<128x128xf32, #tpu.memory_space<vmem>>, vector<1x16xf32>,
      %mul3A_193 = arith.constant 2.000000e-02 : f32
      %mul3A_194 = vector.broadcast %mul3A_193 : f32 to vector<16xf32>
      %mul3A_195 = arith.mulf %scan3A_169#2, %mul3A_194 : vector<16xf32>
      %add3A_196 = arith.addf %mul3A_195, %get3A_6 : vector<16xf32>
      %mul3A_197 = arith.constant 2 : i32
      %mul3A_198 = arith.muli %mul3A_197, %add3A_139 : i32
      %add3A_199 = arith.constant 1 : i32
      %add3A_200 = arith.addi %mul3A_198, %add3A_199 : i32
      %swap3A_201 = arith.index_cast %add3A_200 : i32 to index
      %swap3A_202 = arith.constant 0 : index
      %swap3A_203 = tpu.vector_load %arg8[%swap3A_201, %swap3A_202] {strides = array<i32>} : memref<128x128xf32, #tpu.memory_space<vmem>>, vector<1x16xf32>,
      %swap3A_204 = vector.shape_cast %swap3A_203 : vector<1x16xf32> to vector<16xf32>
      %swap3A_205 = vector.shape_cast %add3A_196 : vector<16xf32> to vector<1x16xf32>
      tpu.vector_store %arg8[%swap3A_201, %swap3A_202], %swap3A_205 {strides = array<i32>} : memref<128x128xf32, #tpu.memory_space<vmem>>, vector<1x16xf32>,
      %mul3A_206 = arith.constant 2.000000e-02 : f32
      %mul3A_207 = vector.broadcast %mul3A_206 : f32 to vector<16xf32>
      %mul3A_208 = arith.mulf %scan3A_169#3, %mul3A_207 : vector<16xf32>
      %add3A_209 = arith.addf %mul3A_208, %get3A_9 : vector<16xf32>
      %mul3A_210 = arith.constant 2 : i32
      %mul3A_211 = arith.muli %mul3A_210, %add3A_139 : i32
      %add3A_212 = arith.constant 1 : i32
      %add3A_213 = arith.addi %mul3A_211, %add3A_212 : i32
      %swap3A_214 = arith.index_cast %add3A_213 : i32 to index
      %swap3A_215 = arith.constant 16 : index
      %swap3A_216 = tpu.vector_load %arg8[%swap3A_214, %swap3A_215] {strides = array<i32>} : memref<128x128xf32, #tpu.memory_space<vmem>>, vector<1x16xf32>,
      %swap3A_217 = vector.shape_cast %swap3A_216 : vector<1x16xf32> to vector<16xf32>
      %swap3A_218 = vector.shape_cast %add3A_209 : vector<16xf32> to vector<1x16xf32>
      tpu.vector_store %arg8[%swap3A_214, %swap3A_215], %swap3A_218 {strides = array<i32>} : memref<128x128xf32, #tpu.memory_space<vmem>>, vector<1x16xf32>,
      %mul3A_219 = arith.constant 4 : i32
      %mul3A_220 = arith.muli %scan3A_59, %mul3A_219 : i32
      %add3A_221 = arith.constant 2 : i32
      %add3A_222 = arith.addi %mul3A_220, %add3A_221 : i32
      %dma_wait3A_223 = arith.constant 2 : i32
      %dma_wait3A_224 = arith.constant 2 : i32
      %dma_wait3A_225 = arith.constant 0 : i32
      %dma_wait3A_226 = arith.constant 0 : i32
      %dma_wait3A_227 = tpu.memref_slice %arg7[%dma_wait3A_223, %dma_wait3A_225, %dma_wait3A_226] : memref<4x100x128xf32, #tpu.memory_space<vmem>> -> memref<1x100x128xf32, #tpu.memory_space<vmem>>
      %dma_wait3A_228 = tpu.memref_squeeze %dma_wait3A_227 : memref<1x100x128xf32, #tpu.memory_space<vmem>> -> memref<100x128xf32, #tpu.memory_space<vmem>>
      %dma_wait3A_229 = arith.constant 0 : i32
      %dma_wait3A_230 = tpu.memref_slice %arg6[%add3A_222, %dma_wait3A_229] : memref<64x100xi32, #tpu.memory_space<vmem>> -> memref<1x100xi32, #tpu.memory_space<vmem>>
      %dma_wait3A_231 = tpu.memref_squeeze %dma_wait3A_230 : memref<1x100xi32, #tpu.memory_space<vmem>> -> memref<100xi32, #tpu.memory_space<vmem>>
      %dma_wait3A_232 = arith.constant 0 : i32
      %dma_wait3A_233 = arith.constant 0 : i32
      %dma_wait3A_234 = tpu.memref_slice %arg3[%dma_wait3A_232, %dma_wait3A_233] : memref<100000x128xf32, #tpu.memory_space<hbm>> -> memref<100000x128xf32, #tpu.memory_space<hbm>>
      %dma_wait3A_235 = tpu.memref_slice %arg10[%dma_wait3A_224] : memref<4x!tpu.dma_semaphore, #tpu.memory_space<semaphore_mem>> -> memref<1x!tpu.dma_semaphore, #tpu.memory_space<semaphore_mem>>
      %dma_wait3A_236 = tpu.memref_squeeze %dma_wait3A_235 : memref<1x!tpu.dma_semaphore, #tpu.memory_space<semaphore_mem>> -> memref<!tpu.dma_semaphore, #tpu.memory_space<semaphore_mem>>
      tpu.wait_indirect_dma semaphore(%dma_wait3A_236 : memref<!tpu.dma_semaphore, #tpu.memory_space<semaphore_mem>>) src(%dma_wait3A_234 : memref<100000x128xf32, #tpu.memory_space<hbm>>) dst(%dma_wait3A_228 : memref<100x128xf32, #tpu.memory_space<vmem>>)
      %add3A_237 = arith.constant 4 : i32
      %add3A_238 = arith.addi %add3A_222, %add3A_237 : i32
      %sub3A_239 = arith.constant 1 : i32
      %sub3A_240 = arith.subi %add3A_238, %sub3A_239 : i32
      %lt3A_241 = arith.constant 64 : i32
      %lt3A_242 = arith.cmpi slt, %sub3A_240, %lt3A_241 : i32
      %convert_element_type3A_243 = arith.extui %lt3A_242 : i1 to i32
      %cond3A_244 = arith.constant 0 : i32
      %cond3A_245 = arith.cmpi ne, %convert_element_type3A_243, %cond3A_244 : i32
      scf.if %cond3A_245 {
        %add3A_385 = arith.constant 4 : i32
        %add3A_386 = arith.addi %add3A_222, %add3A_385 : i32
        %sub3A_387 = arith.constant 1 : i32
        %sub3A_388 = arith.subi %add3A_386, %sub3A_387 : i32
        %dma_start3A_389 = arith.constant 1 : i32
        %dma_start3A_390 = arith.constant 1 : i32
        %dma_start3A_391 = arith.constant 0 : i32
        %dma_start3A_392 = arith.constant 0 : i32
        %dma_start3A_393 = tpu.memref_slice %arg7[%dma_start3A_389, %dma_start3A_391, %dma_start3A_392] : memref<4x100x128xf32, #tpu.memory_space<vmem>> -> memref<1x100x128xf32, #tpu.memory_space<vmem>>
        %dma_start3A_394 = tpu.memref_squeeze %dma_start3A_393 : memref<1x100x128xf32, #tpu.memory_space<vmem>> -> memref<100x128xf32, #tpu.memory_space<vmem>>
        %dma_start3A_395 = arith.constant 0 : i32
        %dma_start3A_396 = tpu.memref_slice %arg6[%sub3A_388, %dma_start3A_395] : memref<64x100xi32, #tpu.memory_space<vmem>> -> memref<1x100xi32, #tpu.memory_space<vmem>>
        %dma_start3A_397 = tpu.memref_squeeze %dma_start3A_396 : memref<1x100xi32, #tpu.memory_space<vmem>> -> memref<100xi32, #tpu.memory_space<vmem>>
        %dma_start3A_398 = arith.constant 0 : i32
        %dma_start3A_399 = arith.constant 0 : i32
        %dma_start3A_400 = tpu.memref_slice %arg3[%dma_start3A_398, %dma_start3A_399] : memref<100000x128xf32, #tpu.memory_space<hbm>> -> memref<100000x128xf32, #tpu.memory_space<hbm>>
        %dma_start3A_401 = tpu.memref_slice %arg10[%dma_start3A_390] : memref<4x!tpu.dma_semaphore, #tpu.memory_space<semaphore_mem>> -> memref<1x!tpu.dma_semaphore, #tpu.memory_space<semaphore_mem>>
        %dma_start3A_402 = tpu.memref_squeeze %dma_start3A_401 : memref<1x!tpu.dma_semaphore, #tpu.memory_space<semaphore_mem>> -> memref<!tpu.dma_semaphore, #tpu.memory_space<semaphore_mem>>
        tpu.enqueue_indirect_dma source(%dma_start3A_400 : memref<100000x128xf32, #tpu.memory_space<hbm>>) target(%dma_start3A_394 : memref<100x128xf32, #tpu.memory_space<vmem>>) offsets(%dma_start3A_397 : memref<100xi32, #tpu.memory_space<vmem>>) semaphore(%dma_start3A_402 : memref<!tpu.dma_semaphore, #tpu.memory_space<semaphore_mem>>)
      } else {
      }
      %broadcast_in_dim3A_246 = arith.constant 0.000000e+00 : f32
      %broadcast_in_dim3A_247 = vector.broadcast %broadcast_in_dim3A_246 : f32 to vector<16xf32>
      %scan3A_248 = arith.constant 0 : i32
      %scan3A_249 = arith.constant 50 : i32
      %scan3A_250 = arith.addi %scan3A_248, %scan3A_249 : i32
      %scan3A_251 = arith.constant 1 : i32
      %scan3A_252:4 = scf.for %scan3A_385 = %scan3A_248 to %scan3A_250 step %scan3A_251 iter_args(%scan3A_386 = %broadcast_in_dim3A_247, %scan3A_387 = %broadcast_in_dim3A_247, %scan3A_388 = %broadcast_in_dim3A_247, %scan3A_389 = %broadcast_in_dim3A_247) -> (vector<16xf32>, vector<16xf32>, vector<16xf32>, vector<16xf32>)  : i32 {
        %get3A_390 = arith.constant 2 : i32
        %get3A_391 = arith.index_cast %get3A_390 : i32 to index
        %get3A_392 = arith.index_cast %scan3A_385 : i32 to index
        %get3A_393 = arith.constant 0 : index
        %get3A_394 = tpu.vector_load %arg7[%get3A_391, %get3A_392, %get3A_393] {strides = array<i32>} : memref<4x100x128xf32, #tpu.memory_space<vmem>>, vector<1x1x16xf32>,
        %get3A_395 = vector.shape_cast %get3A_394 : vector<1x1x16xf32> to vector<16xf32>
        %add3A_396 = arith.addf %scan3A_386, %get3A_395 : vector<16xf32>
        %get3A_397 = arith.constant 2 : i32
        %get3A_398 = arith.index_cast %get3A_397 : i32 to index
        %get3A_399 = arith.index_cast %scan3A_385 : i32 to index
        %get3A_400 = arith.constant 16 : index
        %get3A_401 = tpu.vector_load %arg7[%get3A_398, %get3A_399, %get3A_400] {strides = array<i32>} : memref<4x100x128xf32, #tpu.memory_space<vmem>>, vector<1x1x16xf32>,
        %get3A_402 = vector.shape_cast %get3A_401 : vector<1x1x16xf32> to vector<16xf32>
        %add3A_403 = arith.addf %scan3A_387, %get3A_402 : vector<16xf32>
        %add3A_404 = arith.constant 50 : i32
        %add3A_405 = arith.addi %add3A_404, %scan3A_385 : i32
        %get3A_406 = arith.constant 2 : i32
        %get3A_407 = arith.index_cast %get3A_406 : i32 to index
        %get3A_408 = arith.index_cast %add3A_405 : i32 to index
        %get3A_409 = arith.constant 0 : index
        %get3A_410 = tpu.vector_load %arg7[%get3A_407, %get3A_408, %get3A_409] {strides = array<i32>} : memref<4x100x128xf32, #tpu.memory_space<vmem>>, vector<1x1x16xf32>,
        %get3A_411 = vector.shape_cast %get3A_410 : vector<1x1x16xf32> to vector<16xf32>
        %add3A_412 = arith.addf %scan3A_388, %get3A_411 : vector<16xf32>
        %add3A_413 = arith.constant 50 : i32
        %add3A_414 = arith.addi %add3A_413, %scan3A_385 : i32
        %get3A_415 = arith.constant 2 : i32
        %get3A_416 = arith.index_cast %get3A_415 : i32 to index
        %get3A_417 = arith.index_cast %add3A_414 : i32 to index
        %get3A_418 = arith.constant 16 : index
        %get3A_419 = tpu.vector_load %arg7[%get3A_416, %get3A_417, %get3A_418] {strides = array<i32>} : memref<4x100x128xf32, #tpu.memory_space<vmem>>, vector<1x1x16xf32>,
        %get3A_420 = vector.shape_cast %get3A_419 : vector<1x1x16xf32> to vector<16xf32>
        %add3A_421 = arith.addf %scan3A_389, %get3A_420 : vector<16xf32>
        scf.yield %add3A_396, %add3A_403, %add3A_412, %add3A_421 : vector<16xf32>, vector<16xf32>, vector<16xf32>, vector<16xf32>
      }
      %scan3A_253 = arith.constant 50 : i32
      %mul3A_254 = arith.constant 2.000000e-02 : f32
      %mul3A_255 = vector.broadcast %mul3A_254 : f32 to vector<16xf32>
      %mul3A_256 = arith.mulf %scan3A_252#0, %mul3A_255 : vector<16xf32>
      %add3A_257 = arith.addf %mul3A_256, %get3A_6 : vector<16xf32>
      %mul3A_258 = arith.constant 2 : i32
      %mul3A_259 = arith.muli %mul3A_258, %add3A_222 : i32
      %swap3A_260 = arith.index_cast %mul3A_259 : i32 to index
      %swap3A_261 = arith.constant 0 : index
      %swap3A_262 = tpu.vector_load %arg8[%swap3A_260, %swap3A_261] {strides = array<i32>} : memref<128x128xf32, #tpu.memory_space<vmem>>, vector<1x16xf32>,
      %swap3A_263 = vector.shape_cast %swap3A_262 : vector<1x16xf32> to vector<16xf32>
      %swap3A_264 = vector.shape_cast %add3A_257 : vector<16xf32> to vector<1x16xf32>
      tpu.vector_store %arg8[%swap3A_260, %swap3A_261], %swap3A_264 {strides = array<i32>} : memref<128x128xf32, #tpu.memory_space<vmem>>, vector<1x16xf32>,
      %mul3A_265 = arith.constant 2.000000e-02 : f32
      %mul3A_266 = vector.broadcast %mul3A_265 : f32 to vector<16xf32>
      %mul3A_267 = arith.mulf %scan3A_252#1, %mul3A_266 : vector<16xf32>
      %add3A_268 = arith.addf %mul3A_267, %get3A_9 : vector<16xf32>
      %mul3A_269 = arith.constant 2 : i32
      %mul3A_270 = arith.muli %mul3A_269, %add3A_222 : i32
      %swap3A_271 = arith.index_cast %mul3A_270 : i32 to index
      %swap3A_272 = arith.constant 16 : index
      %swap3A_273 = tpu.vector_load %arg8[%swap3A_271, %swap3A_272] {strides = array<i32>} : memref<128x128xf32, #tpu.memory_space<vmem>>, vector<1x16xf32>,
      %swap3A_274 = vector.shape_cast %swap3A_273 : vector<1x16xf32> to vector<16xf32>
      %swap3A_275 = vector.shape_cast %add3A_268 : vector<16xf32> to vector<1x16xf32>
      tpu.vector_store %arg8[%swap3A_271, %swap3A_272], %swap3A_275 {strides = array<i32>} : memref<128x128xf32, #tpu.memory_space<vmem>>, vector<1x16xf32>,
      %mul3A_276 = arith.constant 2.000000e-02 : f32
      %mul3A_277 = vector.broadcast %mul3A_276 : f32 to vector<16xf32>
      %mul3A_278 = arith.mulf %scan3A_252#2, %mul3A_277 : vector<16xf32>
      %add3A_279 = arith.addf %mul3A_278, %get3A_6 : vector<16xf32>
      %mul3A_280 = arith.constant 2 : i32
      %mul3A_281 = arith.muli %mul3A_280, %add3A_222 : i32
      %add3A_282 = arith.constant 1 : i32
      %add3A_283 = arith.addi %mul3A_281, %add3A_282 : i32
      %swap3A_284 = arith.index_cast %add3A_283 : i32 to index
      %swap3A_285 = arith.constant 0 : index
      %swap3A_286 = tpu.vector_load %arg8[%swap3A_284, %swap3A_285] {strides = array<i32>} : memref<128x128xf32, #tpu.memory_space<vmem>>, vector<1x16xf32>,
      %swap3A_287 = vector.shape_cast %swap3A_286 : vector<1x16xf32> to vector<16xf32>
      %swap3A_288 = vector.shape_cast %add3A_279 : vector<16xf32> to vector<1x16xf32>
      tpu.vector_store %arg8[%swap3A_284, %swap3A_285], %swap3A_288 {strides = array<i32>} : memref<128x128xf32, #tpu.memory_space<vmem>>, vector<1x16xf32>,
      %mul3A_289 = arith.constant 2.000000e-02 : f32
      %mul3A_290 = vector.broadcast %mul3A_289 : f32 to vector<16xf32>
      %mul3A_291 = arith.mulf %scan3A_252#3, %mul3A_290 : vector<16xf32>
      %add3A_292 = arith.addf %mul3A_291, %get3A_9 : vector<16xf32>
      %mul3A_293 = arith.constant 2 : i32
      %mul3A_294 = arith.muli %mul3A_293, %add3A_222 : i32
      %add3A_295 = arith.constant 1 : i32
      %add3A_296 = arith.addi %mul3A_294, %add3A_295 : i32
      %swap3A_297 = arith.index_cast %add3A_296 : i32 to index
      %swap3A_298 = arith.constant 16 : index
      %swap3A_299 = tpu.vector_load %arg8[%swap3A_297, %swap3A_298] {strides = array<i32>} : memref<128x128xf32, #tpu.memory_space<vmem>>, vector<1x16xf32>,
      %swap3A_300 = vector.shape_cast %swap3A_299 : vector<1x16xf32> to vector<16xf32>
      %swap3A_301 = vector.shape_cast %add3A_292 : vector<16xf32> to vector<1x16xf32>
      tpu.vector_store %arg8[%swap3A_297, %swap3A_298], %swap3A_301 {strides = array<i32>} : memref<128x128xf32, #tpu.memory_space<vmem>>, vector<1x16xf32>,
      %mul3A_302 = arith.constant 4 : i32
      %mul3A_303 = arith.muli %scan3A_59, %mul3A_302 : i32
      %add3A_304 = arith.constant 3 : i32
      %add3A_305 = arith.addi %mul3A_303, %add3A_304 : i32
      %dma_wait3A_306 = arith.constant 3 : i32
      %dma_wait3A_307 = arith.constant 3 : i32
      %dma_wait3A_308 = arith.constant 0 : i32
      %dma_wait3A_309 = arith.constant 0 : i32
      %dma_wait3A_310 = tpu.memref_slice %arg7[%dma_wait3A_306, %dma_wait3A_308, %dma_wait3A_309] : memref<4x100x128xf32, #tpu.memory_space<vmem>> -> memref<1x100x128xf32, #tpu.memory_space<vmem>>
      %dma_wait3A_311 = tpu.memref_squeeze %dma_wait3A_310 : memref<1x100x128xf32, #tpu.memory_space<vmem>> -> memref<100x128xf32, #tpu.memory_space<vmem>>
      %dma_wait3A_312 = arith.constant 0 : i32
      %dma_wait3A_313 = tpu.memref_slice %arg6[%add3A_305, %dma_wait3A_312] : memref<64x100xi32, #tpu.memory_space<vmem>> -> memref<1x100xi32, #tpu.memory_space<vmem>>
      %dma_wait3A_314 = tpu.memref_squeeze %dma_wait3A_313 : memref<1x100xi32, #tpu.memory_space<vmem>> -> memref<100xi32, #tpu.memory_space<vmem>>
      %dma_wait3A_315 = arith.constant 0 : i32
      %dma_wait3A_316 = arith.constant 0 : i32
      %dma_wait3A_317 = tpu.memref_slice %arg3[%dma_wait3A_315, %dma_wait3A_316] : memref<100000x128xf32, #tpu.memory_space<hbm>> -> memref<100000x128xf32, #tpu.memory_space<hbm>>
      %dma_wait3A_318 = tpu.memref_slice %arg10[%dma_wait3A_307] : memref<4x!tpu.dma_semaphore, #tpu.memory_space<semaphore_mem>> -> memref<1x!tpu.dma_semaphore, #tpu.memory_space<semaphore_mem>>
      %dma_wait3A_319 = tpu.memref_squeeze %dma_wait3A_318 : memref<1x!tpu.dma_semaphore, #tpu.memory_space<semaphore_mem>> -> memref<!tpu.dma_semaphore, #tpu.memory_space<semaphore_mem>>
      tpu.wait_indirect_dma semaphore(%dma_wait3A_319 : memref<!tpu.dma_semaphore, #tpu.memory_space<semaphore_mem>>) src(%dma_wait3A_317 : memref<100000x128xf32, #tpu.memory_space<hbm>>) dst(%dma_wait3A_311 : memref<100x128xf32, #tpu.memory_space<vmem>>)
      %add3A_320 = arith.constant 4 : i32
      %add3A_321 = arith.addi %add3A_305, %add3A_320 : i32
      %sub3A_322 = arith.constant 1 : i32
      %sub3A_323 = arith.subi %add3A_321, %sub3A_322 : i32
      %lt3A_324 = arith.constant 64 : i32
      %lt3A_325 = arith.cmpi slt, %sub3A_323, %lt3A_324 : i32
      %convert_element_type3A_326 = arith.extui %lt3A_325 : i1 to i32
      %cond3A_327 = arith.constant 0 : i32
      %cond3A_328 = arith.cmpi ne, %convert_element_type3A_326, %cond3A_327 : i32
      scf.if %cond3A_328 {
        %add3A_385 = arith.constant 4 : i32
        %add3A_386 = arith.addi %add3A_305, %add3A_385 : i32
        %sub3A_387 = arith.constant 1 : i32
        %sub3A_388 = arith.subi %add3A_386, %sub3A_387 : i32
        %dma_start3A_389 = arith.constant 2 : i32
        %dma_start3A_390 = arith.constant 2 : i32
        %dma_start3A_391 = arith.constant 0 : i32
        %dma_start3A_392 = arith.constant 0 : i32
        %dma_start3A_393 = tpu.memref_slice %arg7[%dma_start3A_389, %dma_start3A_391, %dma_start3A_392] : memref<4x100x128xf32, #tpu.memory_space<vmem>> -> memref<1x100x128xf32, #tpu.memory_space<vmem>>
        %dma_start3A_394 = tpu.memref_squeeze %dma_start3A_393 : memref<1x100x128xf32, #tpu.memory_space<vmem>> -> memref<100x128xf32, #tpu.memory_space<vmem>>
        %dma_start3A_395 = arith.constant 0 : i32
        %dma_start3A_396 = tpu.memref_slice %arg6[%sub3A_388, %dma_start3A_395] : memref<64x100xi32, #tpu.memory_space<vmem>> -> memref<1x100xi32, #tpu.memory_space<vmem>>
        %dma_start3A_397 = tpu.memref_squeeze %dma_start3A_396 : memref<1x100xi32, #tpu.memory_space<vmem>> -> memref<100xi32, #tpu.memory_space<vmem>>
        %dma_start3A_398 = arith.constant 0 : i32
        %dma_start3A_399 = arith.constant 0 : i32
        %dma_start3A_400 = tpu.memref_slice %arg3[%dma_start3A_398, %dma_start3A_399] : memref<100000x128xf32, #tpu.memory_space<hbm>> -> memref<100000x128xf32, #tpu.memory_space<hbm>>
        %dma_start3A_401 = tpu.memref_slice %arg10[%dma_start3A_390] : memref<4x!tpu.dma_semaphore, #tpu.memory_space<semaphore_mem>> -> memref<1x!tpu.dma_semaphore, #tpu.memory_space<semaphore_mem>>
        %dma_start3A_402 = tpu.memref_squeeze %dma_start3A_401 : memref<1x!tpu.dma_semaphore, #tpu.memory_space<semaphore_mem>> -> memref<!tpu.dma_semaphore, #tpu.memory_space<semaphore_mem>>
        tpu.enqueue_indirect_dma source(%dma_start3A_400 : memref<100000x128xf32, #tpu.memory_space<hbm>>) target(%dma_start3A_394 : memref<100x128xf32, #tpu.memory_space<vmem>>) offsets(%dma_start3A_397 : memref<100xi32, #tpu.memory_space<vmem>>) semaphore(%dma_start3A_402 : memref<!tpu.dma_semaphore, #tpu.memory_space<semaphore_mem>>)
      } else {
      }
      %broadcast_in_dim3A_329 = arith.constant 0.000000e+00 : f32
      %broadcast_in_dim3A_330 = vector.broadcast %broadcast_in_dim3A_329 : f32 to vector<16xf32>
      %scan3A_331 = arith.constant 0 : i32
      %scan3A_332 = arith.constant 50 : i32
      %scan3A_333 = arith.addi %scan3A_331, %scan3A_332 : i32
      %scan3A_334 = arith.constant 1 : i32
      %scan3A_335:4 = scf.for %scan3A_385 = %scan3A_331 to %scan3A_333 step %scan3A_334 iter_args(%scan3A_386 = %broadcast_in_dim3A_330, %scan3A_387 = %broadcast_in_dim3A_330, %scan3A_388 = %broadcast_in_dim3A_330, %scan3A_389 = %broadcast_in_dim3A_330) -> (vector<16xf32>, vector<16xf32>, vector<16xf32>, vector<16xf32>)  : i32 {
        %get3A_390 = arith.constant 3 : i32
        %get3A_391 = arith.index_cast %get3A_390 : i32 to index
        %get3A_392 = arith.index_cast %scan3A_385 : i32 to index
        %get3A_393 = arith.constant 0 : index
        %get3A_394 = tpu.vector_load %arg7[%get3A_391, %get3A_392, %get3A_393] {strides = array<i32>} : memref<4x100x128xf32, #tpu.memory_space<vmem>>, vector<1x1x16xf32>,
        %get3A_395 = vector.shape_cast %get3A_394 : vector<1x1x16xf32> to vector<16xf32>
        %add3A_396 = arith.addf %scan3A_386, %get3A_395 : vector<16xf32>
        %get3A_397 = arith.constant 3 : i32
        %get3A_398 = arith.index_cast %get3A_397 : i32 to index
        %get3A_399 = arith.index_cast %scan3A_385 : i32 to index
        %get3A_400 = arith.constant 16 : index
        %get3A_401 = tpu.vector_load %arg7[%get3A_398, %get3A_399, %get3A_400] {strides = array<i32>} : memref<4x100x128xf32, #tpu.memory_space<vmem>>, vector<1x1x16xf32>,
        %get3A_402 = vector.shape_cast %get3A_401 : vector<1x1x16xf32> to vector<16xf32>
        %add3A_403 = arith.addf %scan3A_387, %get3A_402 : vector<16xf32>
        %add3A_404 = arith.constant 50 : i32
        %add3A_405 = arith.addi %add3A_404, %scan3A_385 : i32
        %get3A_406 = arith.constant 3 : i32
        %get3A_407 = arith.index_cast %get3A_406 : i32 to index
        %get3A_408 = arith.index_cast %add3A_405 : i32 to index
        %get3A_409 = arith.constant 0 : index
        %get3A_410 = tpu.vector_load %arg7[%get3A_407, %get3A_408, %get3A_409] {strides = array<i32>} : memref<4x100x128xf32, #tpu.memory_space<vmem>>, vector<1x1x16xf32>,
        %get3A_411 = vector.shape_cast %get3A_410 : vector<1x1x16xf32> to vector<16xf32>
        %add3A_412 = arith.addf %scan3A_388, %get3A_411 : vector<16xf32>
        %add3A_413 = arith.constant 50 : i32
        %add3A_414 = arith.addi %add3A_413, %scan3A_385 : i32
        %get3A_415 = arith.constant 3 : i32
        %get3A_416 = arith.index_cast %get3A_415 : i32 to index
        %get3A_417 = arith.index_cast %add3A_414 : i32 to index
        %get3A_418 = arith.constant 16 : index
        %get3A_419 = tpu.vector_load %arg7[%get3A_416, %get3A_417, %get3A_418] {strides = array<i32>} : memref<4x100x128xf32, #tpu.memory_space<vmem>>, vector<1x1x16xf32>,
        %get3A_420 = vector.shape_cast %get3A_419 : vector<1x1x16xf32> to vector<16xf32>
        %add3A_421 = arith.addf %scan3A_389, %get3A_420 : vector<16xf32>
        scf.yield %add3A_396, %add3A_403, %add3A_412, %add3A_421 : vector<16xf32>, vector<16xf32>, vector<16xf32>, vector<16xf32>
      }
      %scan3A_336 = arith.constant 50 : i32
      %mul3A_337 = arith.constant 2.000000e-02 : f32
      %mul3A_338 = vector.broadcast %mul3A_337 : f32 to vector<16xf32>
      %mul3A_339 = arith.mulf %scan3A_335#0, %mul3A_338 : vector<16xf32>
      %add3A_340 = arith.addf %mul3A_339, %get3A_6 : vector<16xf32>
      %mul3A_341 = arith.constant 2 : i32
      %mul3A_342 = arith.muli %mul3A_341, %add3A_305 : i32
      %swap3A_343 = arith.index_cast %mul3A_342 : i32 to index
      %swap3A_344 = arith.constant 0 : index
      %swap3A_345 = tpu.vector_load %arg8[%swap3A_343, %swap3A_344] {strides = array<i32>} : memref<128x128xf32, #tpu.memory_space<vmem>>, vector<1x16xf32>,
      %swap3A_346 = vector.shape_cast %swap3A_345 : vector<1x16xf32> to vector<16xf32>
      %swap3A_347 = vector.shape_cast %add3A_340 : vector<16xf32> to vector<1x16xf32>
      tpu.vector_store %arg8[%swap3A_343, %swap3A_344], %swap3A_347 {strides = array<i32>} : memref<128x128xf32, #tpu.memory_space<vmem>>, vector<1x16xf32>,
      %mul3A_348 = arith.constant 2.000000e-02 : f32
      %mul3A_349 = vector.broadcast %mul3A_348 : f32 to vector<16xf32>
      %mul3A_350 = arith.mulf %scan3A_335#1, %mul3A_349 : vector<16xf32>
      %add3A_351 = arith.addf %mul3A_350, %get3A_9 : vector<16xf32>
      %mul3A_352 = arith.constant 2 : i32
      %mul3A_353 = arith.muli %mul3A_352, %add3A_305 : i32
      %swap3A_354 = arith.index_cast %mul3A_353 : i32 to index
      %swap3A_355 = arith.constant 16 : index
      %swap3A_356 = tpu.vector_load %arg8[%swap3A_354, %swap3A_355] {strides = array<i32>} : memref<128x128xf32, #tpu.memory_space<vmem>>, vector<1x16xf32>,
      %swap3A_357 = vector.shape_cast %swap3A_356 : vector<1x16xf32> to vector<16xf32>
      %swap3A_358 = vector.shape_cast %add3A_351 : vector<16xf32> to vector<1x16xf32>
      tpu.vector_store %arg8[%swap3A_354, %swap3A_355], %swap3A_358 {strides = array<i32>} : memref<128x128xf32, #tpu.memory_space<vmem>>, vector<1x16xf32>,
      %mul3A_359 = arith.constant 2.000000e-02 : f32
      %mul3A_360 = vector.broadcast %mul3A_359 : f32 to vector<16xf32>
      %mul3A_361 = arith.mulf %scan3A_335#2, %mul3A_360 : vector<16xf32>
      %add3A_362 = arith.addf %mul3A_361, %get3A_6 : vector<16xf32>
      %mul3A_363 = arith.constant 2 : i32
      %mul3A_364 = arith.muli %mul3A_363, %add3A_305 : i32
      %add3A_365 = arith.constant 1 : i32
      %add3A_366 = arith.addi %mul3A_364, %add3A_365 : i32
      %swap3A_367 = arith.index_cast %add3A_366 : i32 to index
      %swap3A_368 = arith.constant 0 : index
      %swap3A_369 = tpu.vector_load %arg8[%swap3A_367, %swap3A_368] {strides = array<i32>} : memref<128x128xf32, #tpu.memory_space<vmem>>, vector<1x16xf32>,
      %swap3A_370 = vector.shape_cast %swap3A_369 : vector<1x16xf32> to vector<16xf32>
      %swap3A_371 = vector.shape_cast %add3A_362 : vector<16xf32> to vector<1x16xf32>
      tpu.vector_store %arg8[%swap3A_367, %swap3A_368], %swap3A_371 {strides = array<i32>} : memref<128x128xf32, #tpu.memory_space<vmem>>, vector<1x16xf32>,
      %mul3A_372 = arith.constant 2.000000e-02 : f32
      %mul3A_373 = vector.broadcast %mul3A_372 : f32 to vector<16xf32>
      %mul3A_374 = arith.mulf %scan3A_335#3, %mul3A_373 : vector<16xf32>
      %add3A_375 = arith.addf %mul3A_374, %get3A_9 : vector<16xf32>
      %mul3A_376 = arith.constant 2 : i32
      %mul3A_377 = arith.muli %mul3A_376, %add3A_305 : i32
      %add3A_378 = arith.constant 1 : i32
      %add3A_379 = arith.addi %mul3A_377, %add3A_378 : i32
      %swap3A_380 = arith.index_cast %add3A_379 : i32 to index
      %swap3A_381 = arith.constant 16 : index
      %swap3A_382 = tpu.vector_load %arg8[%swap3A_380, %swap3A_381] {strides = array<i32>} : memref<128x128xf32, #tpu.memory_space<vmem>>, vector<1x16xf32>,
      %swap3A_383 = vector.shape_cast %swap3A_382 : vector<1x16xf32> to vector<16xf32>
      %swap3A_384 = vector.shape_cast %add3A_375 : vector<16xf32> to vector<1x16xf32>
      tpu.vector_store %arg8[%swap3A_380, %swap3A_381], %swap3A_384 {strides = array<i32>} : memref<128x128xf32, #tpu.memory_space<vmem>>, vector<1x16xf32>,
    }
    %scan3A_58 = arith.constant 16 : i32
    "tpu.region"() ({
      %run_scoped3A = tpu.sem_alloc : memref<!tpu.dma_semaphore, #tpu.memory_space<semaphore_mem>>
      %dma_start3A_59 = arith.constant 0 : i32
      %dma_start3A_60 = tpu.memref_slice %arg5[%mul3A_2, %dma_start3A_59] : memref<4096x128xf32, #tpu.memory_space<hbm>> -> memref<128x128xf32, #tpu.memory_space<hbm>>
      %dma_start3A_61 = arith.constant 0 : i32
      %dma_start3A_62 = tpu.memref_slice %arg5[%mul3A_2, %dma_start3A_61] : memref<4096x128xf32, #tpu.memory_space<hbm>> -> memref<128x128xf32, #tpu.memory_space<hbm>>
      tpu.enqueue_dma source(%arg8 : memref<128x128xf32, #tpu.memory_space<vmem>>) target(%dma_start3A_62 : memref<128x128xf32, #tpu.memory_space<hbm>>) target_semaphore(%run_scoped3A : memref<!tpu.dma_semaphore, #tpu.memory_space<semaphore_mem>>)
      %dma_wait3A = arith.constant 0 : i32
      %dma_wait3A_63 = tpu.memref_slice %arg5[%mul3A_2, %dma_wait3A] : memref<4096x128xf32, #tpu.memory_space<hbm>> -> memref<128x128xf32, #tpu.memory_space<hbm>>
      %dma_wait3A_64 = arith.constant 0 : i32
      %dma_wait3A_65 = tpu.memref_slice %arg5[%mul3A_2, %dma_wait3A_64] : memref<4096x128xf32, #tpu.memory_space<hbm>> -> memref<128x128xf32, #tpu.memory_space<hbm>>
      tpu.wait_dma2 semaphore(%run_scoped3A : memref<!tpu.dma_semaphore, #tpu.memory_space<semaphore_mem>>) src(%arg8 : memref<128x128xf32, #tpu.memory_space<vmem>>) dst(%dma_wait3A_65 : memref<128x128xf32, #tpu.memory_space<hbm>>)
      tpu.yield
    }) : () -> ()
    return
  }
}

module attributes {stable_mosaic.version = 14 : i64} {
  func.func @_proj_body(%arg0: i32, %arg1: memref<300x8192xf32, #tpu.memory_space<vmem>>, %arg2: memref<300x128xbf16, #tpu.memory_space<vmem>>, %arg3: memref<8192x128xf32, #tpu.memory_space<vmem>>) attributes {dimension_semantics = [#tpu.dimension_semantics<arbitrary>], iteration_bounds = array<i64: 13>, scalar_prefetch = 0 : i64, scratch_operands = 0 : i64, tpu.core_type = #tpu.core_type<tc>, window_params = [{transform_indices = @transform_0, window_bounds = array<i64: 300, 8192>}, {pipeline_mode = #tpu.pipeline_mode<synchronous>, transform_indices = @transform_1, window_bounds = array<i64: 300, 128>}, {transform_indices = @transform_2, window_bounds = array<i64: 8192, 128>}]} {
    %get3A = arith.constant 0 : index
    %get3A_0 = arith.constant 0 : index
    %get3A_1 = vector.load %arg1[%get3A, %get3A_0] : memref<300x8192xf32, #tpu.memory_space<vmem>>, vector<300x8192xf32>
    %convert_element_type3A = arith.truncf %get3A_1 : vector<300x8192xf32> to vector<300x8192xbf16>
    %get3A_2 = arith.constant 0 : index
    %get3A_3 = arith.constant 0 : index
    %get3A_4 = vector.load %arg2[%get3A_2, %get3A_3] : memref<300x128xbf16, #tpu.memory_space<vmem>>, vector<300x128xbf16>
    %dot_general3A = arith.constant dense<0.000000e+00> : vector<8192x128xf32>
    %dot_general3A_5 = tpu.matmul %convert_element_type3A, %get3A_4, %dot_general3A {dimension_numbers = #tpu.dot_dimension_numbers<[0], [0], [1], [1], [0, 1, 1, 1], [], []>, transpose_lhs_hint = false} : vector<300x8192xbf16>, vector<300x128xbf16>, vector<8192x128xf32> -> vector<8192x128xf32>
    %swap3A = arith.constant 0 : index
    %swap3A_6 = arith.constant 0 : index
    %swap3A_7 = vector.load %arg3[%swap3A, %swap3A_6] : memref<8192x128xf32, #tpu.memory_space<vmem>>, vector<8192x128xf32>
    tpu.vector_store %arg3[%swap3A, %swap3A_6], %dot_general3A_5 {strides = array<i32>} : memref<8192x128xf32, #tpu.memory_space<vmem>>, vector<8192x128xf32>,
    return
  }
  func.func @transform_0(%arg0: i32) -> (i32, i32) {
    %c0_i32 = arith.constant 0 : i32
    %c0_i32_0 = arith.constant 0 : i32
    return %c0_i32, %arg0 : i32, i32
  }
  func.func @transform_1(%arg0: i32) -> (i32, i32) {
    %c0_i32 = arith.constant 0 : i32
    %c0_i32_0 = arith.constant 0 : i32
    %c0_i32_1 = arith.constant 0 : i32
    return %c0_i32, %c0_i32_0 : i32, i32
  }
  func.func @transform_2(%arg0: i32) -> (i32, i32) {
    %c0_i32 = arith.constant 0 : i32
    %c0_i32_0 = arith.constant 0 : i32
    return %arg0, %c0_i32 : i32, i32
  }
}

</mosaic_0001>

<sc_bundles>
// kernel: kernel.4.cloned.1.call-start
scs
__scs_entry_jumppad:
0x0: {  	(pc) =	sbr.rel $0x88, $3  }
0x1: {  	(tag) =	ssettag $0x0;
	lr =	simm.s32 $0x1  }
0x2: {  	[smem:$0x3F9D] =	sst lr;
	_ =	strace $0xD0000000  }
0x3: {  	_ = 	snop  }
0x4: {  	_ = 	snop  }
0x5: {  	_ = 	snop  }
0x6: {  	_ = 	snop  }
0x7: {  	_ = 	snop  }
__scs_overlays_trampoline_lowered:
0x8: {  	[smem:$0x3FAC] =	sst s0  }
0x9: {  	[smem:$0x3FAD] =	sst s1  }
0xa: {  	[smem:$0x3FAE] =	sst s2  }
0xb: {  	[smem:$0x3FAF] =	sst s3  }
0xc: {  	[smem:$0x3FB0] =	sst s4  }
0xd: {  	[smem:$0x3FB1] =	sst s5  }
0xe: {  	[smem:$0x3FB2] =	sst s6  }
0xf: {  	[smem:$0x3FB3] =	sst s7  }
0x10: {  	[smem:$0x3FB4] =	sst s8  }
0x11: {  	[smem:$0x3FB5] =	sst s9;
	s0 =	simm.s32 @!p0 $0x0  }
0x12: {  	s1 =	sld [smem:$0x3F9B];
	s0 =	simm.s32 @p0 $0x1  }
0x13: {  	[smem:$0x3FB6] =	sst s0;
	s0 =	simm.s32 @!p1 $0x0  }
0x14: {  	s2 =	sld [smem:$0x3F9A];
	s0 =	simm.s32 @p1 $0x1  }
0x15: {  	[smem:$0x3FB7] =	sst s0;
	s0 =	simm.s32 @!p2 $0x0  }
0x16: {  	s3 =	sld [smem:$0x3FDB];
	s0 =	simm.s32 @p2 $0x1  }
0x17: {  	s4 =	simm.s32 $0x1BF5;
	[smem:$0x3FB9] =	sst s0  }
0x18: {  	s0 =	sld [smem:$0x3F9C];
	_ =	swait.ge [sflag:s4], $0x0  }
0x19: {  	s7 =	sld [smem:$0x3F9D]  }
0x1a: {  	s8 =	sadd.s32 $0xFFFFE003, lr  }
0x1b: {  	s9 =	sadd.s32 $0xFFFFFEF7, lr;
	s5 =	simm.s32 $0xFFFFFFFF;
	p2 =	slt.u32 s8, $0xFFFFF086  }
0x1c: {  	p1 =	slt.u32 s9, $0xF7A;
	s5 =	simm.s32 @!p2 $0x0  }
0x1d: {  	s5 =	simm.s32 @p1 $0x1;
	p0 =	seq.s32 s7, s2  }
0x1e: {  	s7 =	smul.u32 @!p0 $0xF7A, s2;
	p2 =	seq.s32 @!p0 s5, $0x0  }
0x1f: {  	s9 =	smul.u32 $0xF7A, s1;
	s8 =	simm.s32 @!p0 $0x1BF5;
	p2 =	por !p2, p0  }
0x20: {  	[sflag:s8] =	ssyncset.s32 @!p0 $0xFFFFF086;
	s6 =	sadd.s32 @!p0 s3, s7;
	s7 =	simm.s32 @!p0 $0x108  }
0x21: {  	s3 =	sadd.s32 s3, s9;
	s6 =	sadd.s32 @!p0 $0x88, s6;
	s7 =	simm.s32 @p2 $0x1082  }
0x22: {  	[simem:s7], [sflag:s8] =	dma.local @!p0 [hbm:s6], $0xF7A  }
0x23: {  	s9 =	sor.u32 $0xD0000000, s2;
	s6 =	simm.s32 $0x108;
	_ =	swait.ge @!p0 [sflag:s8], $0x0  }
0x24: {  	s3 =	sadd.s32 $0x88, s3;
	s6 =	simm.s32 @!p1 $0x1082;
	[sflag:s4] =	ssyncset.s32 $0xFFFFF086  }
0x25: {  	[simem:s6], [sflag:s4] =	dma.local [hbm:s3], $0xF7A  }
0x26: {  	[smem:$0x3F9D] =	sst s1;
	(tag) =	ssettag s2;
	_ =	strace s9  }
0x27: {  	s1 =	sld [smem:$0x3FAD]  }
0x28: {  	s2 =	sld [smem:$0x3FAE]  }
0x29: {  	s4 =	sld [smem:$0x3FB0]  }
0x2a: {  	p0 =	seq.s32 s5, $0x0;
	s5 =	sld [smem:$0x3FB1]  }
0x2b: {  	s6 =	sld [smem:$0x3FB2]  }
0x2c: {  	s7 =	sld [smem:$0x3FB3]  }
0x2d: {  	s3 =	simm.s32 $0x108;
	s8 =	sld [smem:$0x3FB4]  }
0x2e: {  	s3 =	simm.s32 @!p0 $0x1082;
	s9 =	sld [smem:$0x3FB5]  }
0x2f: {  	lr =	sadd.s32 s0, s3;
	s0 =	sld [smem:$0x3FAC]  }
0x30: {  	s3 =	sld [smem:$0x3FAF]  }
0x31: {  	[smem:$0x3FB8] =	sst s10  }
0x32: {  	s10 =	sld [smem:$0x3FB6];
	_ =	sdelay $0x3  }
0x33: {  	p0 =	seq.s32 s10, $0x1;
	s10 =	sld [smem:$0x3FB8];
	_ =	sdelay $0x3  }
0x34: {  	[smem:$0x3FB8] =	sst s10  }
0x35: {  	s10 =	sld [smem:$0x3FB7];
	_ =	sdelay $0x3  }
0x36: {  	p1 =	seq.s32 s10, $0x1;
	s10 =	sld [smem:$0x3FB8];
	_ =	sdelay $0x3  }
0x37: {  	[smem:$0x3FB8] =	sst s10  }
0x38: {  	s10 =	sld [smem:$0x3FB9]  }
0x39: {  	_ = 	snop;
	(pc) =	sbr.ind lr, $3  }
0x3a: {  	_ = 	snop  }
0x3b: {  	_ = 	snop  }
0x3c: {  	p2 =	seq.s32 s10, $0x1;
	s10 =	sld [smem:$0x3FB8]  }
0x3d: {  	_ =	shalt  }
0x3e: {  	_ =	shalt  }
0x3f: {  	_ =	shalt  }
0x40: {  	_ =	shalt  }
0x41: {  	_ =	shalt  }
0x42: {  	_ =	shalt  }
0x43: {  	_ =	shalt  }
0x44: {  	_ =	shalt  }
0x45: {  	_ =	shalt  }
0x46: {  	_ =	shalt  }
0x47: {  	_ =	shalt  }
0x48: {  	_ =	shalt  }
0x49: {  	_ =	shalt  }
0x4a: {  	_ =	shalt  }
0x4b: {  	_ =	shalt  }
0x4c: {  	_ =	shalt  }
0x4d: {  	_ =	shalt  }
0x4e: {  	_ =	shalt  }
0x4f: {  	_ =	shalt  }
0x50: {  	_ =	shalt  }
0x51: {  	_ =	shalt  }
0x52: {  	_ =	shalt  }
0x53: {  	_ =	shalt  }
0x54: {  	_ =	shalt  }
0x55: {  	_ =	shalt  }
0x56: {  	_ =	shalt  }
0x57: {  	_ =	shalt  }
0x58: {  	_ =	shalt  }
0x59: {  	_ =	shalt  }
0x5a: {  	_ =	shalt  }
0x5b: {  	_ =	shalt  }
0x5c: {  	_ =	shalt  }
0x5d: {  	_ =	shalt  }
0x5e: {  	_ =	shalt  }
0x5f: {  	_ =	shalt  }
0x60: {  	_ =	shalt  }
0x61: {  	_ =	shalt  }
0x62: {  	_ =	shalt  }
0x63: {  	_ =	shalt  }
0x64: {  	_ =	shalt  }
0x65: {  	_ =	shalt  }
0x66: {  	_ =	shalt  }
0x67: {  	_ =	shalt  }
0x68: {  	_ =	shalt  }
0x69: {  	_ =	shalt  }
0x6a: {  	_ =	shalt  }
0x6b: {  	_ =	shalt  }
0x6c: {  	_ =	shalt  }
0x6d: {  	_ =	shalt  }
0x6e: {  	_ =	shalt  }
0x6f: {  	_ =	shalt  }
0x70: {  	_ =	shalt  }
0x71: {  	_ =	shalt  }
0x72: {  	_ =	shalt  }
0x73: {  	_ =	shalt  }
0x74: {  	_ =	shalt  }
0x75: {  	_ =	shalt  }
0x76: {  	_ =	shalt  }
0x77: {  	_ =	shalt  }
0x78: {  	_ =	shalt  }
0x79: {  	_ =	shalt  }
0x7a: {  	_ =	shalt  }
0x7b: {  	_ =	shalt  }
0x7c: {  	_ =	shalt  }
0x7d: {  	_ =	shalt  }
0x7e: {  	_ =	shalt  }
0x7f: {  	_ =	shalt  }
0x80: {  	_ =	shalt  }
0x81: {  	_ =	shalt  }
0x82: {  	_ =	shalt  }
0x83: {  	_ =	shalt  }
0x84: {  	_ =	shalt  }
0x85: {  	_ =	shalt  }
0x86: {  	_ =	shalt  }
0x87: {  	_ =	shalt  }
.Lfunc_end0:
.L_simem_size_0:
called_computation_lowered:
.L_overlay_start_0:
0x88: {  	s2 =	sld [smem:$0x3FD9]  }
0x89: {  	s3 =	sld [smem:$0x3FFE];
	_ =	sdelay $0x1  }
0x8a: {  	s1 =	srdreg.scid  }
0x8b: {  	s0 =	sand.u32 $0x1, s1  }
0x8c: {  	s17 =	sshll.u32 s0, $0xA;
	s2 =	sadd.s32 s3, s2  }
0x8d: {  	s2 =	sadd.s32 s2, s17  }
0x8e: {  	[smem:$0x3FC4] =	sst s2  }
0x8f: {  	_ = 	snop  }
0x90: {  	s2 =	sld [smem:$0x3FD0];
	(tm) =	ssettm $0x1  }
0x91: {  	s18 =	sld [smem:$0x3FFB];
	_ =	sdelay $0x3  }
0x92: {  	_ =	strace s18  }
0x93: {  	s3 =	sld [smem:$0x3FFC];
	_ =	sdelay $0x3  }
0x94: {  	_ =	strace s3  }
0x95: {  	s3 =	sld [smem:$0x3FFD];
	_ =	sdelay $0x3  }
0x96: {  	_ =	strace s3  }
0x97: {  	_ =	strace $0x8FFFFFFF  }
0x98: {  	s19 =	sld [smem:$0x3FDB];
	_ =	sdelay $0x1  }
0x99: {  	s4 =	simm.s32 $_scs_section_size  }
0x9a: {  	s5 =	simm.s32 $_size__tile_overlayer_lowered;
	s6 =	simm.s32 $_tile_overlayer_lowered  }
0x9b: {  	s22 =	simm.s32 $0x1BFF;
	s21 =	sshll.u32 s6, $0x1;
	s3 =	sadd.s32 s4, s19  }
0x9c: {  	s7 =	simm.s32 $0x0;
	s20 =	sshll.u32 s5, $0x1;
	s5 =	sadd.s32 s21, s3  }
0x9d: {  	[timem:s7], [sflag:s22] =	dma.local [hbm:s5], s20  }
0x9e: {  	_ =	swait.ge [sflag:s22], s20  }
0x9f: {  	s4 =	ssub.s32 $0x0, s20;
	[sflag:s22] =	ssyncset.done $0x0  }
0xa0: {  	[sflag:s22] =	ssyncadd.s32 s4;
	_ =	sdelay $0x1  }
0xa1: {  	s23 =	simm.s32 $0x1B8B  }
0xa2: {  	_ =	swait.ge [sflag:s23], $0x1  }
0xa3: {  	[sflag:s23] =	ssyncset.done $0x0  }
0xa4: {  	s25 =	simm.s32 $0x1B8E;
	s24 =	sld [smem:$0x3FFE];
	[sflag:s23] =	ssyncadd.s32 $0xFFFFFFFF  }
0xa5: {  	s26 =	simm.s32 $execute0_lowered;
	[smem:$0x3FD2] =	sst s25  }
0xa6: {  	s5 =	sshll.u32 s26, $0x1;
	_ =	strace $0x80000046;
	[dreg:$0x1] =	wrdreg $0xFFFFFFFF  }
0xa7: {  	s28 =	simm.s32 $_size_execute0_lowered;
	s3 =	sadd.s32 s3, s5;
	[dreg:$0x0] =	wrdreg $0x0  }
0xa8: {  	s5 =	sshll.u32 s28, $0x1;
	[dreg:$0x2] =	wrdreg s3  }
0xa9: {  	[dreg:$0x3] =	wrdreg s5  }
0xaa: {  	[dreg:$0x4] =	wrdreg $0xC0  }
0xab: {  	_ =	task [dreg:s7], $0x5FFFF  }
0xac: {  	[dreg:$0x1] =	wrdreg $0xFFFFFFFF  }
0xad: {  	[dreg:$0x0] =	wrdreg $0x60  }
0xae: {  	[dreg:$0x2] =	wrdreg s24  }
0xaf: {  	[dreg:$0x3] =	wrdreg s2  }
0xb0: {  	[dreg:$0x4] =	wrdreg $0x9  }
0xb1: {  	_ =	task.clear_ibuf [dreg:s7], $0x5FFFF;
	_ =	strace $0x90000046  }
0xb2: {  	s29 =	simm.s32 $0x9;
	_ =	strace $0x80000048  }
0xb3: {  	_ =	swait.ge [sflag:s29], $0x1  }
0xb4: {  	[sflag:s29] =	ssyncadd.s32 $0xFFFFFFFF  }
0xb5: {  	_ =	strace $0x90000048  }
0xb6: {  	_ =	sfence  }
0xb7: {  	s30 =	sld [smem:$0x0];
	_ =	sdelay $0x2  }
0xb8: {  	s31 =	sshll.u32 s1, $0xD;
	s1 =	sshrl.u32 s1, $0x2  }
0xb9: {  	s3 =	sand.u32 $0x4000, s31;
	s1 =	sadd.s32 s1, s30  }
0xba: {  	s0 =	sor.u32 s3, s0;
	s1 =	sshll.u32 s1, $0x11  }
0xbb: {  	s0 =	sor.u32 s1, s0  }
0xbc: {  	s0 =	sadd.s32 $0x8F2B, s0  }
0xbd: {  	[sflag:s0] =	ssyncadd.remote.s32 $0x1  }
0xbe: {  	_ =	sfence.sel $0xFFFF  }
0xbf: {  	[dreg:$0x0] =	wrdreg $0xFFFFFFFF;
	(pc) =	sbr.abs _section_cstart, $3  }
0xc0: {  	[dreg:$0x1] =	wrdreg $0xFFFFFFFF  }
0xc1: {  	_ =	task.clear_ibuf [dreg:s7], $0x2FFFF;
	_ =	strace $0x9FFFFFFF  }
0xc2: {  	(tm) =	ssettm $0x7FFFFFFF  }
0xc3: {  	_ =	shalt  }
tec
execute0_lowered:
.L_overlay_start_1:
0x0: {  	(tag) =	ssettag $0x1  }
0x1: {  	s5 =	rddreg [dreg:$0x0]  }
0x2: {  	s2 =	rddreg [dreg:$0x1]  }
0x3: {  	s0 =	rddreg [dreg:$0x2];
	s4 =	srdreg.scid  }
0x4: {  	s1 =	stileid.u32;
	s3 =	simm.s32 $0x0;
	s10 =	simm.s32 $0x64  }
0x5: {  	s11 =	simm.s32 $0x2000;
	s12 =	simm.s32 $0x80;
	s13 =	simm.s32 $0x5400  }
0x6: {  	s14 =	simm.s32 $0x100;
	s15 =	simm.s32 $0x8800;
	s16 =	simm.s32 $0x1  }
0x7: {  	s17 =	simm.s32 $0xBC00;
	s18 =	simm.s32 $0x2;
	s19 =	simm.s32 $0x3  }
0x8: {  	s20 =	simm.s32 $0x4;
	s21 =	simm.s32 $0xF000;
	s22 =	simm.s32 $0x0  }
0x9: {  	s4 =	sand.u32 $0x1, s4;
	s6 =	sshll.u32 s1, $0x1;
	[smem:$0x7FF] =	sst s3  }
0xa: {  	s6 =	sor.u32 s4, s6;
	_ =	strace $0x80000047;
	s8 =	ssub.s32 $0x2, s4  }
0xb: {  	s4 =	sadd.s32 $0x8400, s5;
	s7 =	sshll.u32 s6, $0xA;
	s6 =	sshll.u32 s6, $0xB  }
0xc: {  	s9 =	sshrl.u32 s8, $0x1;
	s7 =	sadd.s32 s7, s5;
	s6 =	sadd.s32 s6, s5  }
0xd: {  	s8 =	ssub.s32 s8, s9;
	s9 =	simm.s32 $0x13000;
	s5 =	sadd.s32 $0x400, s7  }
0xe: {  	s6 =	sadd.s32 $0x18EE00, s6;
	s7 =	smax.u32 s8, $0x1;
	s8 =	simm.s32 $0x5  }
.LBB2_1:
0xf: {  	[tilespmem:s3], [sflag:$0x5] =	stream.linear.gather [hbm4b:s5+s3], $0x2000, $0x38;
	[tilespmem:$0x13080] =	vst v63  }
0x10: {  	_ =	swait.ge [sflag:s8], $0x2000  }
0x11: {  	[sflag:s8] =	ssyncset.done $0x0  }
0x12: {  	[sflag:s8] =	ssyncadd.s32 $0xFFFFE000  }
0x13: {  	[tilespmem:s9], [sflag:$0x5] =	stream.linear.gather [hbm4b:s2+s3], $0x80, $0x38;
	[tilespmem:$0x13080] =	vst v63  }
0x14: {  	_ =	swait.ge [sflag:s8], $0x80  }
0x15: {  	[sflag:s8] =	ssyncset.done $0x0  }
0x16: {  	[sflag:s8] =	ssyncadd.s32 $0xFFFFFF80  }
0x17: {  	v0 =	vld [tilespmem:$0x13000]  }
0x18: {  	v1 =	vld [tilespmem:$0x13010];
	[tilespmem:s11], [sflag:$0x1] =	stream.indirect.gather [hbm4b:s4+s10], $0x80, s3, s10, $0xb8  }
0x19: {  	_ = 	snop  }
0x1a: {  	[tilespmem:s13], [sflag:$0x2] =	stream.indirect.gather [hbm4b:s4+s10], $0x80, s12, s10, $0xb8;
	[tilespmem:$0x13080] =	vst v63  }
0x1b: {  	s23 =	simm.s32 $0x0  }
0x1c: {  	[tilespmem:s15], [sflag:$0x3] =	stream.indirect.gather [hbm4b:s4+s10], $0x80, s14, s10, $0xb8;
	[tilespmem:$0x13080] =	vst v63  }
.LBB2_2:
0x1d: {  	_ =	swait.ge [sflag:s16], $0x3200;
	s24 =	sshllo.u32 s23, $0x2  }
0x1e: {  	[sflag:s16] =	ssyncset.done $0x0;
	s25 =	sshll.u32 s24, $0x7  }
0x1f: {  	s26 =	simm.s32 $0x0;
	[sflag:s16] =	ssyncadd.s32 $0xFFFFCE00;
	s25 =	sand.u32 $0x3FFFFF80, s25  }
0x20: {  	[tilespmem:s17], [sflag:$0x4] =	stream.indirect.gather [hbm4b:s4+s10], $0x80, s25, s10, $0xb8;
	[tilespmem:$0x13080] =	vst v63  }
0x21: {  	v3 =	vld [tilespmem:s26+$0x3910]  }
0x22: {  	v4 =	vld [tilespmem:s26+$0x2000]  }
0x23: {  	v2 =	vimm.f32 $0.0e+00;
	v5 =	vld [tilespmem:s26+$0x2010]  }
0x24: {  	v7 =	vimm.f32 $0.0e+00;
	v8 =	vimm.f32 $0.0e+00;
	v9 =	vimm.f32 $0.0e+00;
	s25 =	simm.s32 $0x200;
	v6 =	vld [tilespmem:s26+$0x3900]  }
.LBB2_3:
0x25: {  	p0 =	sne.s32 s25, $0x6200  }
.Ltmp0:
0x26: {  	s26 =	sshra.s32 s25, $0x2;
	s25 =	sadd.s32 $0x200, s25;
	v2 =	vadd.f32 v3, v2;
	(pc) =	sbr.rel @p0 .LBB2_3-.Ltmp0, $4  }
0x27: {  	v3 =	vld [tilespmem:s26+$0x3910];
	v7 =	vadd.f32 v4, v7  }
0x28: {  	v4 =	vld [tilespmem:s26+$0x2000];
	v8 =	vadd.f32 v5, v8  }
0x29: {  	v5 =	vld [tilespmem:s26+$0x2010];
	v9 =	vadd.f32 v6, v9  }
0x2a: {  	v6 =	vld [tilespmem:s26+$0x3900]  }
0x2b: {  	_ = 	snop  }
0x2c: {  	v2 =	vadd.f32 v3, v2  }
0x2d: {  	v4 =	vadd.f32 v4, v7  }
0x2e: {  	v5 =	vadd.f32 v5, v8;
	v2 =	vmul.f32 $1.999999960e-02, v2  }
0x2f: {  	v6 =	vadd.f32 v6, v9;
	v4 =	vmul.f32 $1.999999960e-02, v4  }
0x30: {  	s25 =	sshll.u32 s23, $0xC;
	v3 =	vmul.f32 $1.999999960e-02, v5;
	v2 =	vadd.f32 v2, v1  }
0x31: {  	s25 =	sshra.s32 s25, $0x2;
	v4 =	vadd.f32 v4, v0;
	v5 =	vmul.f32 $1.999999960e-02, v6  }
0x32: {  	v3 =	vadd.f32 v3, v1;
	[tilespmem:s25+$0xF090] =	vst v2  }
0x33: {  	[tilespmem:s25+$0xF000] =	vst v4;
	v4 =	vadd.f32 v5, v0  }
0x34: {  	[tilespmem:s25+$0xF010] =	vst v3  }
0x35: {  	p0 =	seq.s32 s23, $0xF;
	[tilespmem:s25+$0xF080] =	vst v4  }
0x36: {  	s31 =	simm.s32 $0x0;
	s26 =	sshll.u32 @!p0 s23, $0x9;
	_ =	swait.ge [sflag:s18], $0x3200  }
0x37: {  	s29 =	simm.s32 @!p0 $0x64;
	s26 =	sand.u32 @!p0 $0x3FFFFE00, s26;
	[sflag:s18] =	ssyncset.done $0x0  }
0x38: {  	s30 =	simm.s32 @!p0 $0x2000;
	s28 =	sadd.s32 @!p0 $0x200, s26;
	[sflag:s18] =	ssyncadd.s32 $0xFFFFCE00  }
0x39: {  	[tilespmem:s30], [sflag:$0x1] =	stream.indirect.gather @!p0 [hbm4b:s4+s29], $0x80, s28, s29, $0xb8;
	[tilespmem:$0x13080] =	vst v63  }
0x3a: {  	v3 =	vld [tilespmem:s31+$0x6D10]  }
0x3b: {  	v4 =	vld [tilespmem:s31+$0x5400]  }
0x3c: {  	v7 =	vimm.f32 $0.0e+00;
	v5 =	vld [tilespmem:s31+$0x5410]  }
0x3d: {  	v8 =	vimm.f32 $0.0e+00;
	v9 =	vimm.f32 $0.0e+00;
	v2 =	vimm.f32 $0.0e+00;
	s28 =	simm.s32 $0x200;
	v6 =	vld [tilespmem:s31+$0x6D00]  }
.LBB2_5:
0x3e: {  	p1 =	sne.s32 s28, $0x6200  }
.Ltmp1:
0x3f: {  	s29 =	sshra.s32 s28, $0x2;
	s28 =	sadd.s32 $0x200, s28;
	v2 =	vadd.f32 v3, v2;
	(pc) =	sbr.rel @p1 .LBB2_5-.Ltmp1, $4  }
0x40: {  	v3 =	vld [tilespmem:s29+$0x6D10];
	v7 =	vadd.f32 v4, v7  }
0x41: {  	v4 =	vld [tilespmem:s29+$0x5400];
	v8 =	vadd.f32 v5, v8  }
0x42: {  	v5 =	vld [tilespmem:s29+$0x5410];
	v9 =	vadd.f32 v6, v9  }
0x43: {  	v6 =	vld [tilespmem:s29+$0x6D00]  }
0x44: {  	_ = 	snop  }
0x45: {  	v2 =	vadd.f32 v3, v2  }
0x46: {  	v4 =	vadd.f32 v4, v7  }
0x47: {  	v5 =	vadd.f32 v5, v8;
	v2 =	vmul.f32 $1.999999960e-02, v2  }
0x48: {  	v6 =	vadd.f32 v6, v9;
	v4 =	vmul.f32 $1.999999960e-02, v4  }
0x49: {  	v3 =	vmul.f32 $1.999999960e-02, v5;
	v2 =	vadd.f32 v2, v1  }
0x4a: {  	v4 =	vadd.f32 v4, v0;
	v5 =	vmul.f32 $1.999999960e-02, v6  }
0x4b: {  	v3 =	vadd.f32 v3, v1;
	[tilespmem:s25+$0xF190] =	vst v2  }
0x4c: {  	[tilespmem:s25+$0xF100] =	vst v4;
	v4 =	vadd.f32 v5, v0  }
0x4d: {  	[tilespmem:s25+$0xF110] =	vst v3  }
0x4e: {  	[tilespmem:s25+$0xF180] =	vst v4  }
0x4f: {  	_ =	swait.ge [sflag:s19], $0x3200  }
0x50: {  	s28 =	sadd.s32 @!p0 $0x280, s26;
	s29 =	simm.s32 @!p0 $0x64;
	[sflag:s19] =	ssyncset.done $0x0  }
0x51: {  	s30 =	simm.s32 @!p0 $0x5400;
	s31 =	simm.s32 $0x0;
	[sflag:s19] =	ssyncadd.s32 $0xFFFFCE00  }
0x52: {  	[tilespmem:s30], [sflag:$0x2] =	stream.indirect.gather @!p0 [hbm4b:s4+s29], $0x80, s28, s29, $0xb8;
	[tilespmem:$0x13080] =	vst v63  }
0x53: {  	v3 =	vld [tilespmem:s31+$0xA110]  }
0x54: {  	v4 =	vld [tilespmem:s31+$0x8800]  }
0x55: {  	v7 =	vimm.f32 $0.0e+00;
	v5 =	vld [tilespmem:s31+$0x8810]  }
0x56: {  	v8 =	vimm.f32 $0.0e+00;
	v9 =	vimm.f32 $0.0e+00;
	v2 =	vimm.f32 $0.0e+00;
	s28 =	simm.s32 $0x200;
	v6 =	vld [tilespmem:s31+$0xA100]  }
.LBB2_7:
0x57: {  	p1 =	sne.s32 s28, $0x6200  }
.Ltmp2:
0x58: {  	s29 =	sshra.s32 s28, $0x2;
	s28 =	sadd.s32 $0x200, s28;
	v2 =	vadd.f32 v3, v2;
	(pc) =	sbr.rel @p1 .LBB2_7-.Ltmp2, $4  }
0x59: {  	v3 =	vld [tilespmem:s29+$0xA110];
	v7 =	vadd.f32 v4, v7  }
0x5a: {  	v4 =	vld [tilespmem:s29+$0x8800];
	v8 =	vadd.f32 v5, v8  }
0x5b: {  	v5 =	vld [tilespmem:s29+$0x8810];
	v9 =	vadd.f32 v6, v9  }
0x5c: {  	v6 =	vld [tilespmem:s29+$0xA100]  }
0x5d: {  	_ = 	snop  }
0x5e: {  	v2 =	vadd.f32 v3, v2  }
0x5f: {  	v4 =	vadd.f32 v4, v7  }
0x60: {  	v5 =	vadd.f32 v5, v8;
	v2 =	vmul.f32 $1.999999960e-02, v2  }
0x61: {  	v6 =	vadd.f32 v6, v9;
	v4 =	vmul.f32 $1.999999960e-02, v4  }
0x62: {  	v3 =	vmul.f32 $1.999999960e-02, v5;
	v2 =	vadd.f32 v2, v1  }
0x63: {  	v4 =	vadd.f32 v4, v0;
	v5 =	vmul.f32 $1.999999960e-02, v6  }
0x64: {  	v3 =	vadd.f32 v3, v1;
	[tilespmem:s25+$0xF290] =	vst v2  }
0x65: {  	[tilespmem:s25+$0xF200] =	vst v4;
	v4 =	vadd.f32 v5, v0  }
0x66: {  	[tilespmem:s25+$0xF210] =	vst v3  }
0x67: {  	[tilespmem:s25+$0xF280] =	vst v4  }
0x68: {  	_ =	swait.ge [sflag:s20], $0x3200  }
0x69: {  	s28 =	simm.s32 @!p0 $0x8800;
	s31 =	simm.s32 $0x0;
	[sflag:s20] =	ssyncset.done $0x0  }
0x6a: {  	s25 =	sadd.s32 @!p0 $0x300, s26;
	s26 =	simm.s32 @!p0 $0x64;
	[sflag:s20] =	ssyncadd.s32 $0xFFFFCE00  }
0x6b: {  	[tilespmem:s28], [sflag:$0x3] =	stream.indirect.gather @!p0 [hbm4b:s4+s26], $0x80, s25, s26, $0xb8;
	[tilespmem:$0x13080] =	vst v63  }
0x6c: {  	v3 =	vld [tilespmem:s31+$0xD510]  }
0x6d: {  	v4 =	vld [tilespmem:s31+$0xBC00]  }
0x6e: {  	v7 =	vimm.f32 $0.0e+00;
	v5 =	vld [tilespmem:s31+$0xBC10]  }
0x6f: {  	v8 =	vimm.f32 $0.0e+00;
	v9 =	vimm.f32 $0.0e+00;
	v2 =	vimm.f32 $0.0e+00;
	s25 =	simm.s32 $0x200;
	v6 =	vld [tilespmem:s31+$0xD500]  }
.LBB2_9:
0x70: {  	p0 =	sne.s32 s25, $0x6200  }
.Ltmp3:
0x71: {  	s26 =	sshra.s32 s25, $0x2;
	s25 =	sadd.s32 $0x200, s25;
	v2 =	vadd.f32 v3, v2;
	(pc) =	sbr.rel @p0 .LBB2_9-.Ltmp3, $4  }
0x72: {  	v3 =	vld [tilespmem:s26+$0xD510];
	v7 =	vadd.f32 v4, v7  }
0x73: {  	v4 =	vld [tilespmem:s26+$0xBC00];
	v8 =	vadd.f32 v5, v8  }
0x74: {  	v5 =	vld [tilespmem:s26+$0xBC10];
	v9 =	vadd.f32 v6, v9  }
0x75: {  	v6 =	vld [tilespmem:s26+$0xD500]  }
0x76: {  	_ = 	snop  }
0x77: {  	v2 =	vadd.f32 v3, v2  }
0x78: {  	v4 =	vadd.f32 v4, v7  }
0x79: {  	v5 =	vadd.f32 v5, v8;
	v2 =	vmul.f32 $1.999999960e-02, v2  }
0x7a: {  	s23 =	sadd.s32 $0x1, s23;
	v6 =	vadd.f32 v6, v9;
	v4 =	vmul.f32 $1.999999960e-02, v4  }
0x7b: {  	s24 =	sshll.u32 s24, $0x8;
	p0 =	sne.s32 s23, $0x10;
	v3 =	vmul.f32 $1.999999960e-02, v5;
	v2 =	vadd.f32 v2, v1  }
.Ltmp4:
0x7c: {  	s24 =	sand.u32 $0x3FFFFF00, s24;
	v4 =	vadd.f32 v4, v0;
	v62 =	vmul.f32 $1.999999960e-02, v6;
	(pc) =	sbr.rel @p0 .LBB2_2-.Ltmp4, $4  }
0x7d: {  	v3 =	vadd.f32 v3, v1;
	[tilespmem:s24+$0xF090] =	vst v2  }
0x7e: {  	[tilespmem:s24+$0xF000] =	vst v4;
	v63 =	vadd.f32 v62, v0  }
0x7f: {  	[tilespmem:s24+$0xF010] =	vst v3  }
0x80: {  	[tilespmem:s24+$0xF080] =	vst v63  }
0x81: {  	s22 =	sadd.s32 $0x1, s22  }
0x82: {  	p0 =	sne.s32 s22, s7  }
.Ltmp5:
0x83: {  	_ = 	snop;
	(pc) =	sbr.rel @p0 .LBB2_1-.Ltmp5, $4  }
0x84: {  	[hbm4b:s6+s3] =	stream.linear.scatter [tilespmem:s21], [sflag:$0x5], $0x4000, $0x38;
	[tilespmem:$0x13080] =	vst v63  }
0x85: {  	_ =	swait.ge [sflag:s8], $0x4000  }
0x86: {  	[sflag:s8] =	ssyncset.done $0x0  }
0x87: {  	[sflag:s8] =	ssyncadd.s32 $0xFFFFC000  }
0x88: {  	_ =	sfence.sel $0x180000  }
0x89: {  	[bflag:$0x0] =	sbarrier.arrive $0xFFFF  }
0x8a: {  	p0 =	sne.s32 s1, $0x0;
	_ =	strace $0x90000047  }
0x8b: {  	s0 =	sadd.s32 @!p0 $0x100000, s0;
	[bflag:$0x2] =	sbarrier.arrive $0xFFFF  }
0x8c: {  	[sflag:s0] =	ssyncadd.tile.s32 @!p0 $0x1;
	_ =	shalt  }
.Lfunc_end2:
_tile_overlayer_lowered:
.L_overlay_start_2:
0x8d: {  	(tag) =	ssettag $0x2  }
0x8e: {  	s0 =	rddreg [dreg:$0x0];
	s2 =	stileid.u32  }
0x8f: {  	s1 =	rddreg [dreg:$0x1];
	p0 =	sne.s32 s2, $0x0  }
0x90: {  	s3 =	rddreg [dreg:$0x2];
	[bflag:$0x3] =	sbarrier.arrive $0xFFFF;
	s2 =	simm.s32 @!p0 $0x1C05  }
0x91: {  	[timem:s3], [sflag:s2] =	dma.local @!p0 [hbm:s0], s1  }
0x92: {  	s0 =	simm.s32 @!p0 $0x5  }
0x93: {  	_ =	swait.ge @!p0 [sflag:s0], s1  }
0x94: {  	s1 =	ssub.s32 @!p0 $0x0, s1;
	[sflag:s0] =	ssyncset.done @!p0 $0x0  }
0x95: {  	[sflag:s0] =	ssyncadd.s32 @!p0 s1  }
0x96: {  	[bflag:$0x3] =	sbarrier.arrive $0xFFFF  }
0x97: {  	_ =	shalt  }

</sc_bundles>
